<compile_context>
chip_gen: v7x
topology: tpu7x:2x2x1
jax: 0.10.2.dev20260603
libtpu: 0.0.44.dev20260713+nightly
codegen_flags: <defaults>
</compile_context>

<pallas_src>
import functools

import jax
import jax.numpy as jnp
from jax import lax
from jax.experimental import pallas as pl
from jax.experimental.pallas import tpu as pltpu
from jax.experimental.pallas import tpu_sc as plsc

N_NODES_C = 10000

NC = 2
NS = 16
NW = NC * NS
CHUNK = 128

ACC_ROWS = (N_NODES_C // 128 + 1) * 128
ROWS_PER_TILE = ACC_ROWS // NS


def _fill_zero(ref, n_rows, n_col16):
    zero = jnp.zeros((16,), jnp.float32)
    rpi = max(1, 8 // n_col16)

    def body(k, _):
        for ur in range(rpi):
            for uc in range(n_col16):
                ref[k * rpi + ur, pl.ds(uc * 16, 16)] = zero
        return 0

    lax.fori_loop(0, n_rows // rpi, body, 0)


def _fill_ones(ref, n_rows):
    one = jnp.ones((16,), jnp.float32)

    def body(k, _):
        for u in range(8):
            ref[k * 8 + u, :] = one
        return 0

    lax.fori_loop(0, n_rows // 8, body, 0)


def _make_deg_kernel(e_rows):
    rpt = e_rows // NW
    mesh = plsc.VectorSubcoreMesh(core_axis_name="c", subcore_axis_name="s")

    @functools.partial(
        pl.kernel,
        mesh=mesh,
        out_type=jax.ShapeDtypeStruct((NC, ACC_ROWS, 16), jnp.float32),
        scratch_types=[
            pltpu.VMEM((rpt, CHUNK), jnp.int32),
            pltpu.VMEM((CHUNK, 16), jnp.float32),
            pltpu.VMEM((ROWS_PER_TILE, 16), jnp.float32),
            pltpu.VMEM_SHARED((ACC_ROWS, 16), jnp.float32),
        ],
        compiler_params=pltpu.CompilerParams(use_tc_tiling_on_sc=False),
    )
    def deg_kernel(dst_hbm, out_hbm, dst_v, ones_v, stage_v, acc_sh):
        c = lax.axis_index("c")
        s = lax.axis_index("s")
        t = c * NS + s
        pltpu.sync_copy(dst_hbm.at[pl.ds(t * rpt, rpt)], dst_v)
        _fill_ones(ones_v, CHUNK)
        _fill_zero(stage_v, ROWS_PER_TILE, 1)
        pltpu.sync_copy(stage_v, acc_sh.at[pl.ds(s * ROWS_PER_TILE, ROWS_PER_TILE)])
        plsc.subcore_barrier()

        def body(j, _):
            pltpu.sync_copy(ones_v, acc_sh.at[dst_v.at[j]], add=True)
            return 0

        lax.fori_loop(0, rpt, body, 0)
        plsc.subcore_barrier()
        pltpu.sync_copy(acc_sh.at[pl.ds(s * ROWS_PER_TILE, ROWS_PER_TILE)], stage_v)
        pltpu.sync_copy(stage_v, out_hbm.at[c, pl.ds(s * ROWS_PER_TILE, ROWS_PER_TILE)])

    return deg_kernel


def _make_prop_kernel(e_rows, d):
    rpt = e_rows // NW
    ncol16 = d // 16
    mesh = plsc.VectorSubcoreMesh(core_axis_name="c", subcore_axis_name="s")

    @functools.partial(
        pl.kernel,
        mesh=mesh,
        out_type=jax.ShapeDtypeStruct((NC, ACC_ROWS, d), jnp.float32),
        scratch_types=[
            pltpu.VMEM((rpt, CHUNK), jnp.int32),
            pltpu.VMEM((rpt, CHUNK), jnp.int32),
            pltpu.VMEM((CHUNK, d), jnp.float32),
            pltpu.VMEM((CHUNK, d), jnp.float32),
            pltpu.VMEM((CHUNK, d), jnp.float32),
            pltpu.VMEM((CHUNK, d), jnp.float32),
            pltpu.VMEM((ROWS_PER_TILE, d), jnp.float32),
            pltpu.VMEM_SHARED((ACC_ROWS, d), jnp.float32),
            pltpu.SemaphoreType.DMA,
            pltpu.SemaphoreType.DMA,
            pltpu.SemaphoreType.DMA,
            pltpu.SemaphoreType.DMA,
            pltpu.SemaphoreType.DMA,
            pltpu.SemaphoreType.DMA,
            pltpu.SemaphoreType.DMA,
            pltpu.SemaphoreType.DMA,
        ],
        compiler_params=pltpu.CompilerParams(use_tc_tiling_on_sc=False),
    )
    def prop_kernel(src_hbm, dst_hbm, g_hbm, out_hbm,
                    src_v, dst_v, rows0_v, rows1_v, rows2_v, rows3_v,
                    stage_v, acc_sh, sem0, sem1, sem2, sem3,
                    ssem0, ssem1, ssem2, ssem3):
        c = lax.axis_index("c")
        s = lax.axis_index("s")
        t = c * NS + s
        pltpu.sync_copy(src_hbm.at[pl.ds(t * rpt, rpt)], src_v)
        pltpu.sync_copy(dst_hbm.at[pl.ds(t * rpt, rpt)], dst_v)
        _fill_zero(stage_v, ROWS_PER_TILE, ncol16)
        pltpu.sync_copy(stage_v, acc_sh.at[pl.ds(s * ROWS_PER_TILE, ROWS_PER_TILE)])
        plsc.subcore_barrier()

        bufs = (rows0_v, rows1_v, rows2_v, rows3_v)
        sems = (sem0, sem1, sem2, sem3)
        ssems = (ssem0, ssem1, ssem2, ssem3)

        def body(g, _):
            j = g * 4
            hs = [pltpu.async_copy(g_hbm.at[src_v.at[j + b]], bufs[b], sems[b])
                  for b in range(4)]
            ss = []
            for b in range(4):
                hs[b].wait()
                ss.append(pltpu.async_copy(
                    bufs[b], acc_sh.at[dst_v.at[j + b]], ssems[b], add=True))
            for b in range(4):
                ss[b].wait()
            return 0

        lax.fori_loop(0, rpt // 4, body, 0)
        plsc.subcore_barrier()
        pltpu.sync_copy(acc_sh.at[pl.ds(s * ROWS_PER_TILE, ROWS_PER_TILE)], stage_v)
        pltpu.sync_copy(stage_v, out_hbm.at[c, pl.ds(s * ROWS_PER_TILE, ROWS_PER_TILE)])

    return prop_kernel



_BN = 2000


def _l1_body(x_ref, w_ref, degp_ref, g1_ref, dis_ref):
    h = jnp.dot(x_ref[...], w_ref[...], preferred_element_type=jnp.float32)
    deg = degp_ref[0] + degp_ref[1] + 1.0
    dis = lax.rsqrt(deg)
    dis_ref[...] = dis
    g1_ref[...] = h * dis[:, 0:1]


def _mid_body(p_ref, g1_ref, dis_ref, b1_ref, g2_ref):
    d = dis_ref[:, 0:1]
    z = jnp.maximum(d * (p_ref[0] + p_ref[1] + g1_ref[...]) + b1_ref[...], 0.0)
    g2_ref[...] = d * z


def _out_body(p_ref, g2_ref, dis_ref, w_ref, b_ref, o_ref):
    agg = dis_ref[:, 0:1] * (p_ref[0] + p_ref[1] + g2_ref[...])
    o_ref[...] = (
        jnp.dot(agg, w_ref[...], preferred_element_type=jnp.float32) + b_ref[...]
    )


def kernel(x, edge_index, W1, b1, W2, b2):
    n, d_in = x.shape
    d_hid = W1.shape[1]
    d_out = W2.shape[1]
    e = edge_index.shape[1]

    ei = edge_index.astype(jnp.int32)
    e_pad = ((e + NW * CHUNK - 1) // (NW * CHUNK)) * (NW * CHUNK)
    pad = e_pad - e
    pad_iota = jnp.arange(pad, dtype=jnp.int32)
    src = jnp.concatenate([ei[0], pad_iota % n])
    dst = jnp.concatenate([ei[1], n + pad_iota % (ACC_ROWS - n)])
    e_rows = e_pad // CHUNK
    src2d = src.reshape(e_rows, CHUNK)
    dst2d = dst.reshape(e_rows, CHUNK)

    deg_call = _make_deg_kernel(e_rows)
    prop_call = _make_prop_kernel(e_rows, d_hid)

    grid = (n // _BN,)
    spec_rows = lambda w: pl.BlockSpec((_BN, w), lambda i: (i, 0))
    spec_pair = lambda w: pl.BlockSpec((2, _BN, w), lambda i: (0, i, 0))
    spec_full = lambda a, b: pl.BlockSpec((a, b), lambda i: (0, 0))

    degp = deg_call(dst2d)[:, :n, :]

    g1, dis = pl.pallas_call(
        _l1_body,
        grid=grid,
        in_specs=[spec_rows(d_in), spec_full(d_in, d_hid), spec_pair(16)],
        out_specs=[spec_rows(d_hid), spec_rows(16)],
        out_shape=[
            jax.ShapeDtypeStruct((n, d_hid), jnp.float32),
            jax.ShapeDtypeStruct((n, 16), jnp.float32),
        ],
    )(x, W1, degp)

    p1 = prop_call(src2d, dst2d, g1)[:, :n, :]

    g2 = pl.pallas_call(
        _mid_body,
        grid=grid,
        in_specs=[spec_pair(d_hid), spec_rows(d_hid), spec_rows(16),
                  spec_full(1, d_hid)],
        out_specs=spec_rows(d_hid),
        out_shape=jax.ShapeDtypeStruct((n, d_hid), jnp.float32),
    )(p1, g1, dis, b1.reshape(1, d_hid))

    p2 = prop_call(src2d, dst2d, g2)[:, :n, :]

    out = pl.pallas_call(
        _out_body,
        grid=grid,
        in_specs=[spec_pair(d_hid), spec_rows(d_hid), spec_rows(16),
                  spec_full(d_hid, d_out), spec_full(1, d_out)],
        out_specs=spec_rows(d_out),
        out_shape=jax.ShapeDtypeStruct((n, d_out), jnp.float32),
    )(p2, g2, dis, W2, b2.reshape(1, d_out))

    return out

# --- scband reference (transcript-rebuilt; emitter-appended) ---
"""Pipeline reference for scband-gcn-57097295233432 (READ-ONLY COPY).

The authoritative reference and input builder live on the scoring server;
editing this copy changes nothing except your own understanding.
"""

import jax, jax.numpy as jnp
import numpy as np

N_NODES = 10000
D_IN = 256
D_HID = 64
D_OUT = 256
N_EDGES = 160000


def _gcn_conv(x, edge_index, W, b, num_nodes):
    # Faithful translation of torch_geometric GCNConv with default args:
    # add self-loops, symmetric normalization D^-1/2 A D^-1/2, linear transform, bias.
    src = edge_index[0]
    dst = edge_index[1]
    loop = jnp.arange(num_nodes, dtype=edge_index.dtype)
    src = jnp.concatenate([src, loop])
    dst = jnp.concatenate([dst, loop])
    # degree computed on destination nodes (edge_weight = 1)
    deg = jnp.zeros((num_nodes,), dtype=x.dtype).at[dst].add(1.0)
    deg_inv_sqrt = jnp.where(deg > 0, jax.lax.rsqrt(jnp.maximum(deg, 1e-12)), 0.0)
    norm = deg_inv_sqrt[src] * deg_inv_sqrt[dst]
    h = x @ W
    msg = h[src] * norm[:, None]
    out = jnp.zeros((num_nodes, W.shape[1]), dtype=x.dtype).at[dst].add(msg)
    return out + b


def setup_inputs(seed: int = 0) -> dict:
    key = jax.random.key(seed)
    k_x, k_e, k_w1, k_b1, k_w2, k_b2 = jax.random.split(key, 6)
    x = jax.random.normal(k_x, (N_NODES, D_IN), dtype=jnp.float32)
    edge_index = jax.random.randint(k_e, (2, N_EDGES), 0, N_NODES, dtype=jnp.int64)
    # Glorot init like PyG GCNConv
    s1 = (6.0 / (D_IN + D_HID)) ** 0.5
    W1 = jax.random.uniform(k_w1, (D_IN, D_HID), minval=-s1, maxval=s1, dtype=jnp.float32)
    b1 = jnp.zeros((D_HID,), dtype=jnp.float32)
    s2 = (6.0 / (D_HID + D_OUT)) ** 0.5
    W2 = jax.random.uniform(k_w2, (D_HID, D_OUT), minval=-s2, maxval=s2, dtype=jnp.float32)
    b2 = jnp.zeros((D_OUT,), dtype=jnp.float32)
    return {"x": x, "edge_index": edge_index, "W1": W1, "b1": b1, "W2": W2, "b2": b2}


def reference(x, edge_index, W1, b1, W2, b2):
    h = _gcn_conv(x, edge_index, W1, b1, N_NODES)
    h = jax.nn.relu(h)
    out = _gcn_conv(h, edge_index, W2, b2, N_NODES)
    return out

if __name__ == "__main__":
    import jax
    _d = setup_inputs()
    print(jax.jit(kernel)(*tuple(_d.values())))

</pallas_src>

<mosaic_0001>
#map = affine_map<(d0, d1) -> (0, 0)>
#map1 = affine_map<(d0, d1) -> (0, 0, 0)>
module attributes {stable_mosaic.version = 14 : i64} {
  func.func @deg_kernel(%arg0: i32, %arg1: i32, %arg2: memref<1280x128xi32, #tpu.memory_space<hbm>>, %arg3: memref<2x10112x16xf32, #tpu.memory_space<hbm>>, %arg4: memref<40x128xi32, #tpu.memory_space<vmem>>, %arg5: memref<128x16xf32, #tpu.memory_space<vmem>>, %arg6: memref<632x16xf32, #tpu.memory_space<vmem>>, %arg7: memref<10112x16xf32, #tpu.memory_space<vmem_shared>>) attributes {dimension_semantics = [#tpu.dimension_semantics<core_parallel>, #tpu.dimension_semantics<subcore_parallel>], iteration_bounds = array<i64: 2, 16>, scalar_prefetch = 0 : i64, scratch_operands = 4 : i64, tpu.core_type = #tpu.core_type<sc_vector_subcore>, window_params = [{transform_indices = #map}, {transform_indices = #map1}]} {
    %mul3A = arith.constant 16 : i32
    %mul3A_0 = arith.muli %arg0, %mul3A : i32
    %add3A = arith.addi %mul3A_0, %arg1 : i32
    %mul3A_1 = arith.constant 40 : i32
    %mul3A_2 = arith.muli %add3A, %mul3A_1 : i32
    "tpu.region"() ({
      %run_scoped3A = tpu.sem_alloc : memref<!tpu.dma_semaphore, #tpu.memory_space<semaphore_mem>>
      %dma_start3A = arith.constant 0 : i32
      %dma_start3A_33 = tpu.memref_slice %arg2[%mul3A_2, %dma_start3A] : memref<1280x128xi32, #tpu.memory_space<hbm>> -> memref<40x128xi32, #tpu.memory_space<hbm>>
      %dma_start3A_34 = arith.constant 0 : i32
      %dma_start3A_35 = tpu.memref_slice %arg2[%mul3A_2, %dma_start3A_34] : memref<1280x128xi32, #tpu.memory_space<hbm>> -> memref<40x128xi32, #tpu.memory_space<hbm>>
      tpu.enqueue_dma source(%dma_start3A_35 : memref<40x128xi32, #tpu.memory_space<hbm>>) target(%arg4 : memref<40x128xi32, #tpu.memory_space<vmem>>) target_semaphore(%run_scoped3A : memref<!tpu.dma_semaphore, #tpu.memory_space<semaphore_mem>>)
      %dma_wait3A = arith.constant 0 : i32
      %dma_wait3A_36 = tpu.memref_slice %arg2[%mul3A_2, %dma_wait3A] : memref<1280x128xi32, #tpu.memory_space<hbm>> -> memref<40x128xi32, #tpu.memory_space<hbm>>
      %dma_wait3A_37 = arith.constant 0 : i32
      %dma_wait3A_38 = tpu.memref_slice %arg2[%mul3A_2, %dma_wait3A_37] : memref<1280x128xi32, #tpu.memory_space<hbm>> -> memref<40x128xi32, #tpu.memory_space<hbm>>
      tpu.wait_dma2 semaphore(%run_scoped3A : memref<!tpu.dma_semaphore, #tpu.memory_space<semaphore_mem>>) src(%dma_wait3A_38 : memref<40x128xi32, #tpu.memory_space<hbm>>) dst(%arg4 : memref<40x128xi32, #tpu.memory_space<vmem>>)
      tpu.yield
    }) : () -> ()
    %broadcast_in_dim3A = arith.constant 1.000000e+00 : f32
    %broadcast_in_dim3A_3 = vector.broadcast %broadcast_in_dim3A : f32 to vector<16xf32>
    %scan3A = arith.constant 0 : i32
    %scan3A_4 = arith.constant 0 : i32
    %scan3A_5 = arith.constant 16 : i32
    %scan3A_6 = arith.addi %scan3A_4, %scan3A_5 : i32
    %scan3A_7 = arith.constant 1 : i32
    %scan3A_8 = scf.for %scan3A_33 = %scan3A_4 to %scan3A_6 step %scan3A_7 iter_args(%scan3A_34 = %scan3A) -> (i32)  : i32 {
      %mul3A_35 = arith.constant 8 : i32
      %mul3A_36 = arith.muli %scan3A_33, %mul3A_35 : i32
      %add3A_37 = arith.constant 0 : i32
      %add3A_38 = arith.addi %mul3A_36, %add3A_37 : i32
      %swap3A = arith.index_cast %add3A_38 : i32 to index
      %swap3A_39 = arith.constant 0 : index
      %swap3A_40 = tpu.vector_load %arg5[%swap3A, %swap3A_39] {strides = array<i32>} : memref<128x16xf32, #tpu.memory_space<vmem>>, vector<1x16xf32>,
      %swap3A_41 = vector.shape_cast %swap3A_40 : vector<1x16xf32> to vector<16xf32>
      %swap3A_42 = vector.shape_cast %broadcast_in_dim3A_3 : vector<16xf32> to vector<1x16xf32>
      tpu.vector_store %arg5[%swap3A, %swap3A_39], %swap3A_42 {strides = array<i32>} : memref<128x16xf32, #tpu.memory_space<vmem>>, vector<1x16xf32>,
      %mul3A_43 = arith.constant 8 : i32
      %mul3A_44 = arith.muli %scan3A_33, %mul3A_43 : i32
      %add3A_45 = arith.constant 1 : i32
      %add3A_46 = arith.addi %mul3A_44, %add3A_45 : i32
      %swap3A_47 = arith.index_cast %add3A_46 : i32 to index
      %swap3A_48 = arith.constant 0 : index
      %swap3A_49 = tpu.vector_load %arg5[%swap3A_47, %swap3A_48] {strides = array<i32>} : memref<128x16xf32, #tpu.memory_space<vmem>>, vector<1x16xf32>,
      %swap3A_50 = vector.shape_cast %swap3A_49 : vector<1x16xf32> to vector<16xf32>
      %swap3A_51 = vector.shape_cast %broadcast_in_dim3A_3 : vector<16xf32> to vector<1x16xf32>
      tpu.vector_store %arg5[%swap3A_47, %swap3A_48], %swap3A_51 {strides = array<i32>} : memref<128x16xf32, #tpu.memory_space<vmem>>, vector<1x16xf32>,
      %mul3A_52 = arith.constant 8 : i32
      %mul3A_53 = arith.muli %scan3A_33, %mul3A_52 : i32
      %add3A_54 = arith.constant 2 : i32
      %add3A_55 = arith.addi %mul3A_53, %add3A_54 : i32
      %swap3A_56 = arith.index_cast %add3A_55 : i32 to index
      %swap3A_57 = arith.constant 0 : index
      %swap3A_58 = tpu.vector_load %arg5[%swap3A_56, %swap3A_57] {strides = array<i32>} : memref<128x16xf32, #tpu.memory_space<vmem>>, vector<1x16xf32>,
      %swap3A_59 = vector.shape_cast %swap3A_58 : vector<1x16xf32> to vector<16xf32>
      %swap3A_60 = vector.shape_cast %broadcast_in_dim3A_3 : vector<16xf32> to vector<1x16xf32>
      tpu.vector_store %arg5[%swap3A_56, %swap3A_57], %swap3A_60 {strides = array<i32>} : memref<128x16xf32, #tpu.memory_space<vmem>>, vector<1x16xf32>,
      %mul3A_61 = arith.constant 8 : i32
      %mul3A_62 = arith.muli %scan3A_33, %mul3A_61 : i32
      %add3A_63 = arith.constant 3 : i32
      %add3A_64 = arith.addi %mul3A_62, %add3A_63 : i32
      %swap3A_65 = arith.index_cast %add3A_64 : i32 to index
      %swap3A_66 = arith.constant 0 : index
      %swap3A_67 = tpu.vector_load %arg5[%swap3A_65, %swap3A_66] {strides = array<i32>} : memref<128x16xf32, #tpu.memory_space<vmem>>, vector<1x16xf32>,
      %swap3A_68 = vector.shape_cast %swap3A_67 : vector<1x16xf32> to vector<16xf32>
      %swap3A_69 = vector.shape_cast %broadcast_in_dim3A_3 : vector<16xf32> to vector<1x16xf32>
      tpu.vector_store %arg5[%swap3A_65, %swap3A_66], %swap3A_69 {strides = array<i32>} : memref<128x16xf32, #tpu.memory_space<vmem>>, vector<1x16xf32>,
      %mul3A_70 = arith.constant 8 : i32
      %mul3A_71 = arith.muli %scan3A_33, %mul3A_70 : i32
      %add3A_72 = arith.constant 4 : i32
      %add3A_73 = arith.addi %mul3A_71, %add3A_72 : i32
      %swap3A_74 = arith.index_cast %add3A_73 : i32 to index
      %swap3A_75 = arith.constant 0 : index
      %swap3A_76 = tpu.vector_load %arg5[%swap3A_74, %swap3A_75] {strides = array<i32>} : memref<128x16xf32, #tpu.memory_space<vmem>>, vector<1x16xf32>,
      %swap3A_77 = vector.shape_cast %swap3A_76 : vector<1x16xf32> to vector<16xf32>
      %swap3A_78 = vector.shape_cast %broadcast_in_dim3A_3 : vector<16xf32> to vector<1x16xf32>
      tpu.vector_store %arg5[%swap3A_74, %swap3A_75], %swap3A_78 {strides = array<i32>} : memref<128x16xf32, #tpu.memory_space<vmem>>, vector<1x16xf32>,
      %mul3A_79 = arith.constant 8 : i32
      %mul3A_80 = arith.muli %scan3A_33, %mul3A_79 : i32
      %add3A_81 = arith.constant 5 : i32
      %add3A_82 = arith.addi %mul3A_80, %add3A_81 : i32
      %swap3A_83 = arith.index_cast %add3A_82 : i32 to index
      %swap3A_84 = arith.constant 0 : index
      %swap3A_85 = tpu.vector_load %arg5[%swap3A_83, %swap3A_84] {strides = array<i32>} : memref<128x16xf32, #tpu.memory_space<vmem>>, vector<1x16xf32>,
      %swap3A_86 = vector.shape_cast %swap3A_85 : vector<1x16xf32> to vector<16xf32>
      %swap3A_87 = vector.shape_cast %broadcast_in_dim3A_3 : vector<16xf32> to vector<1x16xf32>
      tpu.vector_store %arg5[%swap3A_83, %swap3A_84], %swap3A_87 {strides = array<i32>} : memref<128x16xf32, #tpu.memory_space<vmem>>, vector<1x16xf32>,
      %mul3A_88 = arith.constant 8 : i32
      %mul3A_89 = arith.muli %scan3A_33, %mul3A_88 : i32
      %add3A_90 = arith.constant 6 : i32
      %add3A_91 = arith.addi %mul3A_89, %add3A_90 : i32
      %swap3A_92 = arith.index_cast %add3A_91 : i32 to index
      %swap3A_93 = arith.constant 0 : index
      %swap3A_94 = tpu.vector_load %arg5[%swap3A_92, %swap3A_93] {strides = array<i32>} : memref<128x16xf32, #tpu.memory_space<vmem>>, vector<1x16xf32>,
      %swap3A_95 = vector.shape_cast %swap3A_94 : vector<1x16xf32> to vector<16xf32>
      %swap3A_96 = vector.shape_cast %broadcast_in_dim3A_3 : vector<16xf32> to vector<1x16xf32>
      tpu.vector_store %arg5[%swap3A_92, %swap3A_93], %swap3A_96 {strides = array<i32>} : memref<128x16xf32, #tpu.memory_space<vmem>>, vector<1x16xf32>,
      %mul3A_97 = arith.constant 8 : i32
      %mul3A_98 = arith.muli %scan3A_33, %mul3A_97 : i32
      %add3A_99 = arith.constant 7 : i32
      %add3A_100 = arith.addi %mul3A_98, %add3A_99 : i32
      %swap3A_101 = arith.index_cast %add3A_100 : i32 to index
      %swap3A_102 = arith.constant 0 : index
      %swap3A_103 = tpu.vector_load %arg5[%swap3A_101, %swap3A_102] {strides = array<i32>} : memref<128x16xf32, #tpu.memory_space<vmem>>, vector<1x16xf32>,
      %swap3A_104 = vector.shape_cast %swap3A_103 : vector<1x16xf32> to vector<16xf32>
      %swap3A_105 = vector.shape_cast %broadcast_in_dim3A_3 : vector<16xf32> to vector<1x16xf32>
      tpu.vector_store %arg5[%swap3A_101, %swap3A_102], %swap3A_105 {strides = array<i32>} : memref<128x16xf32, #tpu.memory_space<vmem>>, vector<1x16xf32>,
      %scan3A_106 = arith.constant 0 : i32
      scf.yield %scan3A_106 : i32
    }
    %scan3A_9 = arith.constant 16 : i32
    %broadcast_in_dim3A_10 = arith.constant 0.000000e+00 : f32
    %broadcast_in_dim3A_11 = vector.broadcast %broadcast_in_dim3A_10 : f32 to vector<16xf32>
    %scan3A_12 = arith.constant 0 : i32
    %scan3A_13 = arith.constant 0 : i32
    %scan3A_14 = arith.constant 79 : i32
    %scan3A_15 = arith.addi %scan3A_13, %scan3A_14 : i32
    %scan3A_16 = arith.constant 1 : i32
    %scan3A_17 = scf.for %scan3A_33 = %scan3A_13 to %scan3A_15 step %scan3A_16 iter_args(%scan3A_34 = %scan3A_12) -> (i32)  : i32 {
      %mul3A_35 = arith.constant 8 : i32
      %mul3A_36 = arith.muli %scan3A_33, %mul3A_35 : i32
      %add3A_37 = arith.constant 0 : i32
      %add3A_38 = arith.addi %mul3A_36, %add3A_37 : i32
      %swap3A = arith.index_cast %add3A_38 : i32 to index
      %swap3A_39 = arith.constant 0 : index
      %swap3A_40 = tpu.vector_load %arg6[%swap3A, %swap3A_39] {strides = array<i32>} : memref<632x16xf32, #tpu.memory_space<vmem>>, vector<1x16xf32>,
      %swap3A_41 = vector.shape_cast %swap3A_40 : vector<1x16xf32> to vector<16xf32>
      %swap3A_42 = vector.shape_cast %broadcast_in_dim3A_11 : vector<16xf32> to vector<1x16xf32>
      tpu.vector_store %arg6[%swap3A, %swap3A_39], %swap3A_42 {strides = array<i32>} : memref<632x16xf32, #tpu.memory_space<vmem>>, vector<1x16xf32>,
      %mul3A_43 = arith.constant 8 : i32
      %mul3A_44 = arith.muli %scan3A_33, %mul3A_43 : i32
      %add3A_45 = arith.constant 1 : i32
      %add3A_46 = arith.addi %mul3A_44, %add3A_45 : i32
      %swap3A_47 = arith.index_cast %add3A_46 : i32 to index
      %swap3A_48 = arith.constant 0 : index
      %swap3A_49 = tpu.vector_load %arg6[%swap3A_47, %swap3A_48] {strides = array<i32>} : memref<632x16xf32, #tpu.memory_space<vmem>>, vector<1x16xf32>,
      %swap3A_50 = vector.shape_cast %swap3A_49 : vector<1x16xf32> to vector<16xf32>
      %swap3A_51 = vector.shape_cast %broadcast_in_dim3A_11 : vector<16xf32> to vector<1x16xf32>
      tpu.vector_store %arg6[%swap3A_47, %swap3A_48], %swap3A_51 {strides = array<i32>} : memref<632x16xf32, #tpu.memory_space<vmem>>, vector<1x16xf32>,
      %mul3A_52 = arith.constant 8 : i32
      %mul3A_53 = arith.muli %scan3A_33, %mul3A_52 : i32
      %add3A_54 = arith.constant 2 : i32
      %add3A_55 = arith.addi %mul3A_53, %add3A_54 : i32
      %swap3A_56 = arith.index_cast %add3A_55 : i32 to index
      %swap3A_57 = arith.constant 0 : index
      %swap3A_58 = tpu.vector_load %arg6[%swap3A_56, %swap3A_57] {strides = array<i32>} : memref<632x16xf32, #tpu.memory_space<vmem>>, vector<1x16xf32>,
      %swap3A_59 = vector.shape_cast %swap3A_58 : vector<1x16xf32> to vector<16xf32>
      %swap3A_60 = vector.shape_cast %broadcast_in_dim3A_11 : vector<16xf32> to vector<1x16xf32>
      tpu.vector_store %arg6[%swap3A_56, %swap3A_57], %swap3A_60 {strides = array<i32>} : memref<632x16xf32, #tpu.memory_space<vmem>>, vector<1x16xf32>,
      %mul3A_61 = arith.constant 8 : i32
      %mul3A_62 = arith.muli %scan3A_33, %mul3A_61 : i32
      %add3A_63 = arith.constant 3 : i32
      %add3A_64 = arith.addi %mul3A_62, %add3A_63 : i32
      %swap3A_65 = arith.index_cast %add3A_64 : i32 to index
      %swap3A_66 = arith.constant 0 : index
      %swap3A_67 = tpu.vector_load %arg6[%swap3A_65, %swap3A_66] {strides = array<i32>} : memref<632x16xf32, #tpu.memory_space<vmem>>, vector<1x16xf32>,
      %swap3A_68 = vector.shape_cast %swap3A_67 : vector<1x16xf32> to vector<16xf32>
      %swap3A_69 = vector.shape_cast %broadcast_in_dim3A_11 : vector<16xf32> to vector<1x16xf32>
      tpu.vector_store %arg6[%swap3A_65, %swap3A_66], %swap3A_69 {strides = array<i32>} : memref<632x16xf32, #tpu.memory_space<vmem>>, vector<1x16xf32>,
      %mul3A_70 = arith.constant 8 : i32
      %mul3A_71 = arith.muli %scan3A_33, %mul3A_70 : i32
      %add3A_72 = arith.constant 4 : i32
      %add3A_73 = arith.addi %mul3A_71, %add3A_72 : i32
      %swap3A_74 = arith.index_cast %add3A_73 : i32 to index
      %swap3A_75 = arith.constant 0 : index
      %swap3A_76 = tpu.vector_load %arg6[%swap3A_74, %swap3A_75] {strides = array<i32>} : memref<632x16xf32, #tpu.memory_space<vmem>>, vector<1x16xf32>,
      %swap3A_77 = vector.shape_cast %swap3A_76 : vector<1x16xf32> to vector<16xf32>
      %swap3A_78 = vector.shape_cast %broadcast_in_dim3A_11 : vector<16xf32> to vector<1x16xf32>
      tpu.vector_store %arg6[%swap3A_74, %swap3A_75], %swap3A_78 {strides = array<i32>} : memref<632x16xf32, #tpu.memory_space<vmem>>, vector<1x16xf32>,
      %mul3A_79 = arith.constant 8 : i32
      %mul3A_80 = arith.muli %scan3A_33, %mul3A_79 : i32
      %add3A_81 = arith.constant 5 : i32
      %add3A_82 = arith.addi %mul3A_80, %add3A_81 : i32
      %swap3A_83 = arith.index_cast %add3A_82 : i32 to index
      %swap3A_84 = arith.constant 0 : index
      %swap3A_85 = tpu.vector_load %arg6[%swap3A_83, %swap3A_84] {strides = array<i32>} : memref<632x16xf32, #tpu.memory_space<vmem>>, vector<1x16xf32>,
      %swap3A_86 = vector.shape_cast %swap3A_85 : vector<1x16xf32> to vector<16xf32>
      %swap3A_87 = vector.shape_cast %broadcast_in_dim3A_11 : vector<16xf32> to vector<1x16xf32>
      tpu.vector_store %arg6[%swap3A_83, %swap3A_84], %swap3A_87 {strides = array<i32>} : memref<632x16xf32, #tpu.memory_space<vmem>>, vector<1x16xf32>,
      %mul3A_88 = arith.constant 8 : i32
      %mul3A_89 = arith.muli %scan3A_33, %mul3A_88 : i32
      %add3A_90 = arith.constant 6 : i32
      %add3A_91 = arith.addi %mul3A_89, %add3A_90 : i32
      %swap3A_92 = arith.index_cast %add3A_91 : i32 to index
      %swap3A_93 = arith.constant 0 : index
      %swap3A_94 = tpu.vector_load %arg6[%swap3A_92, %swap3A_93] {strides = array<i32>} : memref<632x16xf32, #tpu.memory_space<vmem>>, vector<1x16xf32>,
      %swap3A_95 = vector.shape_cast %swap3A_94 : vector<1x16xf32> to vector<16xf32>
      %swap3A_96 = vector.shape_cast %broadcast_in_dim3A_11 : vector<16xf32> to vector<1x16xf32>
      tpu.vector_store %arg6[%swap3A_92, %swap3A_93], %swap3A_96 {strides = array<i32>} : memref<632x16xf32, #tpu.memory_space<vmem>>, vector<1x16xf32>,
      %mul3A_97 = arith.constant 8 : i32
      %mul3A_98 = arith.muli %scan3A_33, %mul3A_97 : i32
      %add3A_99 = arith.constant 7 : i32
      %add3A_100 = arith.addi %mul3A_98, %add3A_99 : i32
      %swap3A_101 = arith.index_cast %add3A_100 : i32 to index
      %swap3A_102 = arith.constant 0 : index
      %swap3A_103 = tpu.vector_load %arg6[%swap3A_101, %swap3A_102] {strides = array<i32>} : memref<632x16xf32, #tpu.memory_space<vmem>>, vector<1x16xf32>,
      %swap3A_104 = vector.shape_cast %swap3A_103 : vector<1x16xf32> to vector<16xf32>
      %swap3A_105 = vector.shape_cast %broadcast_in_dim3A_11 : vector<16xf32> to vector<1x16xf32>
      tpu.vector_store %arg6[%swap3A_101, %swap3A_102], %swap3A_105 {strides = array<i32>} : memref<632x16xf32, #tpu.memory_space<vmem>>, vector<1x16xf32>,
      %scan3A_106 = arith.constant 0 : i32
      scf.yield %scan3A_106 : i32
    }
    %scan3A_18 = arith.constant 79 : i32
    %mul3A_19 = arith.constant 632 : i32
    %mul3A_20 = arith.muli %arg1, %mul3A_19 : i32
    "tpu.region"() ({
      %run_scoped3A = tpu.sem_alloc : memref<!tpu.dma_semaphore, #tpu.memory_space<semaphore_mem>>
      %dma_start3A = arith.constant 0 : i32
      %dma_start3A_33 = tpu.memref_slice %arg7[%mul3A_20, %dma_start3A] : memref<10112x16xf32, #tpu.memory_space<vmem_shared>> -> memref<632x16xf32, #tpu.memory_space<vmem_shared>>
      %dma_start3A_34 = arith.constant 0 : i32
      %dma_start3A_35 = tpu.memref_slice %arg7[%mul3A_20, %dma_start3A_34] : memref<10112x16xf32, #tpu.memory_space<vmem_shared>> -> memref<632x16xf32, #tpu.memory_space<vmem_shared>>
      tpu.enqueue_dma source(%arg6 : memref<632x16xf32, #tpu.memory_space<vmem>>) target(%dma_start3A_35 : memref<632x16xf32, #tpu.memory_space<vmem_shared>>) target_semaphore(%run_scoped3A : memref<!tpu.dma_semaphore, #tpu.memory_space<semaphore_mem>>)
      %dma_wait3A = arith.constant 0 : i32
      %dma_wait3A_36 = tpu.memref_slice %arg7[%mul3A_20, %dma_wait3A] : memref<10112x16xf32, #tpu.memory_space<vmem_shared>> -> memref<632x16xf32, #tpu.memory_space<vmem_shared>>
      %dma_wait3A_37 = arith.constant 0 : i32
      %dma_wait3A_38 = tpu.memref_slice %arg7[%mul3A_20, %dma_wait3A_37] : memref<10112x16xf32, #tpu.memory_space<vmem_shared>> -> memref<632x16xf32, #tpu.memory_space<vmem_shared>>
      tpu.wait_dma2 semaphore(%run_scoped3A : memref<!tpu.dma_semaphore, #tpu.memory_space<semaphore_mem>>) src(%arg6 : memref<632x16xf32, #tpu.memory_space<vmem>>) dst(%dma_wait3A_38 : memref<632x16xf32, #tpu.memory_space<vmem_shared>>)
      tpu.yield
    }) : () -> ()
    %barrier3A = arith.constant 0 : index
    tpu.barrier barrier_id(%barrier3A)
    %scan3A_21 = arith.constant 0 : i32
    %scan3A_22 = arith.constant 0 : i32
    %scan3A_23 = arith.constant 40 : i32
    %scan3A_24 = arith.addi %scan3A_22, %scan3A_23 : i32
    %scan3A_25 = arith.constant 1 : i32
    %scan3A_26 = scf.for %scan3A_33 = %scan3A_22 to %scan3A_24 step %scan3A_25 iter_args(%scan3A_34 = %scan3A_21) -> (i32)  : i32 {
      "tpu.region"() ({
        %run_scoped3A = tpu.sem_alloc : memref<!tpu.dma_semaphore, #tpu.memory_space<semaphore_mem>>
        %dma_start3A = arith.constant 0 : i32
        %dma_start3A_36 = tpu.memref_slice %arg4[%scan3A_33, %dma_start3A] : memref<40x128xi32, #tpu.memory_space<vmem>> -> memref<1x128xi32, #tpu.memory_space<vmem>>
        %dma_start3A_37 = tpu.memref_squeeze %dma_start3A_36 : memref<1x128xi32, #tpu.memory_space<vmem>> -> memref<128xi32, #tpu.memory_space<vmem>>
        %dma_start3A_38 = arith.constant 0 : i32
        %dma_start3A_39 = arith.constant 0 : i32
        %dma_start3A_40 = tpu.memref_slice %arg7[%dma_start3A_38, %dma_start3A_39] : memref<10112x16xf32, #tpu.memory_space<vmem_shared>> -> memref<10112x16xf32, #tpu.memory_space<vmem_shared>>
        tpu.enqueue_indirect_dma source(%arg5 : memref<128x16xf32, #tpu.memory_space<vmem>>) target(%dma_start3A_40 : memref<10112x16xf32, #tpu.memory_space<vmem_shared>>) offsets(%dma_start3A_37 : memref<128xi32, #tpu.memory_space<vmem>>) semaphore(%run_scoped3A : memref<!tpu.dma_semaphore, #tpu.memory_space<semaphore_mem>>) {add = true}
        %dma_wait3A = arith.constant 0 : i32
        %dma_wait3A_41 = tpu.memref_slice %arg4[%scan3A_33, %dma_wait3A] : memref<40x128xi32, #tpu.memory_space<vmem>> -> memref<1x128xi32, #tpu.memory_space<vmem>>
        %dma_wait3A_42 = tpu.memref_squeeze %dma_wait3A_41 : memref<1x128xi32, #tpu.memory_space<vmem>> -> memref<128xi32, #tpu.memory_space<vmem>>
        %dma_wait3A_43 = arith.constant 0 : i32
        %dma_wait3A_44 = arith.constant 0 : i32
        %dma_wait3A_45 = tpu.memref_slice %arg7[%dma_wait3A_43, %dma_wait3A_44] : memref<10112x16xf32, #tpu.memory_space<vmem_shared>> -> memref<10112x16xf32, #tpu.memory_space<vmem_shared>>
        tpu.wait_indirect_dma semaphore(%run_scoped3A : memref<!tpu.dma_semaphore, #tpu.memory_space<semaphore_mem>>) src(%arg5 : memref<128x16xf32, #tpu.memory_space<vmem>>) dst(%dma_wait3A_45 : memref<10112x16xf32, #tpu.memory_space<vmem_shared>>)
        tpu.yield
      }) : () -> ()
      %scan3A_35 = arith.constant 0 : i32
      scf.yield %scan3A_35 : i32
    }
    %scan3A_27 = arith.constant 40 : i32
    %barrier3A_28 = arith.constant 0 : index
    tpu.barrier barrier_id(%barrier3A_28)
    %mul3A_29 = arith.constant 632 : i32
    %mul3A_30 = arith.muli %arg1, %mul3A_29 : i32
    "tpu.region"() ({
      %run_scoped3A = tpu.sem_alloc : memref<!tpu.dma_semaphore, #tpu.memory_space<semaphore_mem>>
      %dma_start3A = arith.constant 0 : i32
      %dma_start3A_33 = tpu.memref_slice %arg7[%mul3A_30, %dma_start3A] : memref<10112x16xf32, #tpu.memory_space<vmem_shared>> -> memref<632x16xf32, #tpu.memory_space<vmem_shared>>
      %dma_start3A_34 = arith.constant 0 : i32
      %dma_start3A_35 = tpu.memref_slice %arg7[%mul3A_30, %dma_start3A_34] : memref<10112x16xf32, #tpu.memory_space<vmem_shared>> -> memref<632x16xf32, #tpu.memory_space<vmem_shared>>
      tpu.enqueue_dma source(%dma_start3A_35 : memref<632x16xf32, #tpu.memory_space<vmem_shared>>) target(%arg6 : memref<632x16xf32, #tpu.memory_space<vmem>>) target_semaphore(%run_scoped3A : memref<!tpu.dma_semaphore, #tpu.memory_space<semaphore_mem>>)
      %dma_wait3A = arith.constant 0 : i32
      %dma_wait3A_36 = tpu.memref_slice %arg7[%mul3A_30, %dma_wait3A] : memref<10112x16xf32, #tpu.memory_space<vmem_shared>> -> memref<632x16xf32, #tpu.memory_space<vmem_shared>>
      %dma_wait3A_37 = arith.constant 0 : i32
      %dma_wait3A_38 = tpu.memref_slice %arg7[%mul3A_30, %dma_wait3A_37] : memref<10112x16xf32, #tpu.memory_space<vmem_shared>> -> memref<632x16xf32, #tpu.memory_space<vmem_shared>>
      tpu.wait_dma2 semaphore(%run_scoped3A : memref<!tpu.dma_semaphore, #tpu.memory_space<semaphore_mem>>) src(%dma_wait3A_38 : memref<632x16xf32, #tpu.memory_space<vmem_shared>>) dst(%arg6 : memref<632x16xf32, #tpu.memory_space<vmem>>)
      tpu.yield
    }) : () -> ()
    %mul3A_31 = arith.constant 632 : i32
    %mul3A_32 = arith.muli %arg1, %mul3A_31 : i32
    "tpu.region"() ({
      %run_scoped3A = tpu.sem_alloc : memref<!tpu.dma_semaphore, #tpu.memory_space<semaphore_mem>>
      %dma_start3A = arith.constant 0 : i32
      %dma_start3A_33 = tpu.memref_slice %arg3[%arg0, %mul3A_32, %dma_start3A] : memref<2x10112x16xf32, #tpu.memory_space<hbm>> -> memref<1x632x16xf32, #tpu.memory_space<hbm>>
      %dma_start3A_34 = tpu.memref_squeeze %dma_start3A_33 : memref<1x632x16xf32, #tpu.memory_space<hbm>> -> memref<632x16xf32, #tpu.memory_space<hbm>>
      %dma_start3A_35 = arith.constant 0 : i32
      %dma_start3A_36 = tpu.memref_slice %arg3[%arg0, %mul3A_32, %dma_start3A_35] : memref<2x10112x16xf32, #tpu.memory_space<hbm>> -> memref<1x632x16xf32, #tpu.memory_space<hbm>>
      %dma_start3A_37 = tpu.memref_squeeze %dma_start3A_36 : memref<1x632x16xf32, #tpu.memory_space<hbm>> -> memref<632x16xf32, #tpu.memory_space<hbm>>
      tpu.enqueue_dma source(%arg6 : memref<632x16xf32, #tpu.memory_space<vmem>>) target(%dma_start3A_37 : memref<632x16xf32, #tpu.memory_space<hbm>>) target_semaphore(%run_scoped3A : memref<!tpu.dma_semaphore, #tpu.memory_space<semaphore_mem>>)
      %dma_wait3A = arith.constant 0 : i32
      %dma_wait3A_38 = tpu.memref_slice %arg3[%arg0, %mul3A_32, %dma_wait3A] : memref<2x10112x16xf32, #tpu.memory_space<hbm>> -> memref<1x632x16xf32, #tpu.memory_space<hbm>>
      %dma_wait3A_39 = tpu.memref_squeeze %dma_wait3A_38 : memref<1x632x16xf32, #tpu.memory_space<hbm>> -> memref<632x16xf32, #tpu.memory_space<hbm>>
      %dma_wait3A_40 = arith.constant 0 : i32
      %dma_wait3A_41 = tpu.memref_slice %arg3[%arg0, %mul3A_32, %dma_wait3A_40] : memref<2x10112x16xf32, #tpu.memory_space<hbm>> -> memref<1x632x16xf32, #tpu.memory_space<hbm>>
      %dma_wait3A_42 = tpu.memref_squeeze %dma_wait3A_41 : memref<1x632x16xf32, #tpu.memory_space<hbm>> -> memref<632x16xf32, #tpu.memory_space<hbm>>
      tpu.wait_dma2 semaphore(%run_scoped3A : memref<!tpu.dma_semaphore, #tpu.memory_space<semaphore_mem>>) src(%arg6 : memref<632x16xf32, #tpu.memory_space<vmem>>) dst(%dma_wait3A_42 : memref<632x16xf32, #tpu.memory_space<hbm>>)
      tpu.yield
    }) : () -> ()
    return
  }
}

#map = affine_map<(d0, d1) -> (0, 0)>
#map1 = affine_map<(d0, d1) -> (0, 0, 0)>
module attributes {stable_mosaic.version = 14 : i64} {
  func.func @prop_kernel(%arg0: i32, %arg1: i32, %arg2: memref<1280x128xi32, #tpu.memory_space<hbm>>, %arg3: memref<1280x128xi32, #tpu.memory_space<hbm>>, %arg4: memref<10000x64xf32, #tpu.memory_space<hbm>>, %arg5: memref<2x10112x64xf32, #tpu.memory_space<hbm>>, %arg6: memref<40x128xi32, #tpu.memory_space<vmem>>, %arg7: memref<40x128xi32, #tpu.memory_space<vmem>>, %arg8: memref<128x64xf32, #tpu.memory_space<vmem>>, %arg9: memref<128x64xf32, #tpu.memory_space<vmem>>, %arg10: memref<128x64xf32, #tpu.memory_space<vmem>>, %arg11: memref<128x64xf32, #tpu.memory_space<vmem>>, %arg12: memref<632x64xf32, #tpu.memory_space<vmem>>, %arg13: memref<10112x64xf32, #tpu.memory_space<vmem_shared>>, %arg14: memref<!tpu.dma_semaphore, #tpu.memory_space<semaphore_mem>>, %arg15: memref<!tpu.dma_semaphore, #tpu.memory_space<semaphore_mem>>, %arg16: memref<!tpu.dma_semaphore, #tpu.memory_space<semaphore_mem>>, %arg17: memref<!tpu.dma_semaphore, #tpu.memory_space<semaphore_mem>>, %arg18: memref<!tpu.dma_semaphore, #tpu.memory_space<semaphore_mem>>, %arg19: memref<!tpu.dma_semaphore, #tpu.memory_space<semaphore_mem>>, %arg20: memref<!tpu.dma_semaphore, #tpu.memory_space<semaphore_mem>>, %arg21: memref<!tpu.dma_semaphore, #tpu.memory_space<semaphore_mem>>) attributes {dimension_semantics = [#tpu.dimension_semantics<core_parallel>, #tpu.dimension_semantics<subcore_parallel>], iteration_bounds = array<i64: 2, 16>, scalar_prefetch = 0 : i64, scratch_operands = 16 : i64, tpu.core_type = #tpu.core_type<sc_vector_subcore>, window_params = [{transform_indices = #map}, {transform_indices = #map}, {transform_indices = #map}, {transform_indices = #map1}]} {
    %mul3A = arith.constant 16 : i32
    %mul3A_0 = arith.muli %arg0, %mul3A : i32
    %add3A = arith.addi %mul3A_0, %arg1 : i32
    %mul3A_1 = arith.constant 40 : i32
    %mul3A_2 = arith.muli %add3A, %mul3A_1 : i32
    "tpu.region"() ({
      %run_scoped3A = tpu.sem_alloc : memref<!tpu.dma_semaphore, #tpu.memory_space<semaphore_mem>>
      %dma_start3A = arith.constant 0 : i32
      %dma_start3A_26 = tpu.memref_slice %arg2[%mul3A_2, %dma_start3A] : memref<1280x128xi32, #tpu.memory_space<hbm>> -> memref<40x128xi32, #tpu.memory_space<hbm>>
      %dma_start3A_27 = arith.constant 0 : i32
      %dma_start3A_28 = tpu.memref_slice %arg2[%mul3A_2, %dma_start3A_27] : memref<1280x128xi32, #tpu.memory_space<hbm>> -> memref<40x128xi32, #tpu.memory_space<hbm>>
      tpu.enqueue_dma source(%dma_start3A_28 : memref<40x128xi32, #tpu.memory_space<hbm>>) target(%arg6 : memref<40x128xi32, #tpu.memory_space<vmem>>) target_semaphore(%run_scoped3A : memref<!tpu.dma_semaphore, #tpu.memory_space<semaphore_mem>>)
      %dma_wait3A = arith.constant 0 : i32
      %dma_wait3A_29 = tpu.memref_slice %arg2[%mul3A_2, %dma_wait3A] : memref<1280x128xi32, #tpu.memory_space<hbm>> -> memref<40x128xi32, #tpu.memory_space<hbm>>
      %dma_wait3A_30 = arith.constant 0 : i32
      %dma_wait3A_31 = tpu.memref_slice %arg2[%mul3A_2, %dma_wait3A_30] : memref<1280x128xi32, #tpu.memory_space<hbm>> -> memref<40x128xi32, #tpu.memory_space<hbm>>
      tpu.wait_dma2 semaphore(%run_scoped3A : memref<!tpu.dma_semaphore, #tpu.memory_space<semaphore_mem>>) src(%dma_wait3A_31 : memref<40x128xi32, #tpu.memory_space<hbm>>) dst(%arg6 : memref<40x128xi32, #tpu.memory_space<vmem>>)
      tpu.yield
    }) : () -> ()
    %mul3A_3 = arith.constant 40 : i32
    %mul3A_4 = arith.muli %add3A, %mul3A_3 : i32
    "tpu.region"() ({
      %run_scoped3A = tpu.sem_alloc : memref<!tpu.dma_semaphore, #tpu.memory_space<semaphore_mem>>
      %dma_start3A = arith.constant 0 : i32
      %dma_start3A_26 = tpu.memref_slice %arg3[%mul3A_4, %dma_start3A] : memref<1280x128xi32, #tpu.memory_space<hbm>> -> memref<40x128xi32, #tpu.memory_space<hbm>>
      %dma_start3A_27 = arith.constant 0 : i32
      %dma_start3A_28 = tpu.memref_slice %arg3[%mul3A_4, %dma_start3A_27] : memref<1280x128xi32, #tpu.memory_space<hbm>> -> memref<40x128xi32, #tpu.memory_space<hbm>>
      tpu.enqueue_dma source(%dma_start3A_28 : memref<40x128xi32, #tpu.memory_space<hbm>>) target(%arg7 : memref<40x128xi32, #tpu.memory_space<vmem>>) target_semaphore(%run_scoped3A : memref<!tpu.dma_semaphore, #tpu.memory_space<semaphore_mem>>)
      %dma_wait3A = arith.constant 0 : i32
      %dma_wait3A_29 = tpu.memref_slice %arg3[%mul3A_4, %dma_wait3A] : memref<1280x128xi32, #tpu.memory_space<hbm>> -> memref<40x128xi32, #tpu.memory_space<hbm>>
      %dma_wait3A_30 = arith.constant 0 : i32
      %dma_wait3A_31 = tpu.memref_slice %arg3[%mul3A_4, %dma_wait3A_30] : memref<1280x128xi32, #tpu.memory_space<hbm>> -> memref<40x128xi32, #tpu.memory_space<hbm>>
      tpu.wait_dma2 semaphore(%run_scoped3A : memref<!tpu.dma_semaphore, #tpu.memory_space<semaphore_mem>>) src(%dma_wait3A_31 : memref<40x128xi32, #tpu.memory_space<hbm>>) dst(%arg7 : memref<40x128xi32, #tpu.memory_space<vmem>>)
      tpu.yield
    }) : () -> ()
    %broadcast_in_dim3A = arith.constant 0.000000e+00 : f32
    %broadcast_in_dim3A_5 = vector.broadcast %broadcast_in_dim3A : f32 to vector<16xf32>
    %scan3A = arith.constant 0 : i32
    %scan3A_6 = arith.constant 0 : i32
    %scan3A_7 = arith.constant 316 : i32
    %scan3A_8 = arith.addi %scan3A_6, %scan3A_7 : i32
    %scan3A_9 = arith.constant 1 : i32
    %scan3A_10 = scf.for %scan3A_26 = %scan3A_6 to %scan3A_8 step %scan3A_9 iter_args(%scan3A_27 = %scan3A) -> (i32)  : i32 {
      %mul3A_28 = arith.constant 2 : i32
      %mul3A_29 = arith.muli %scan3A_26, %mul3A_28 : i32
      %add3A_30 = arith.constant 0 : i32
      %add3A_31 = arith.addi %mul3A_29, %add3A_30 : i32
      %swap3A = arith.index_cast %add3A_31 : i32 to index
      %swap3A_32 = arith.constant 0 : index
      %swap3A_33 = tpu.vector_load %arg12[%swap3A, %swap3A_32] {strides = array<i32>} : memref<632x64xf32, #tpu.memory_space<vmem>>, vector<1x16xf32>,
      %swap3A_34 = vector.shape_cast %swap3A_33 : vector<1x16xf32> to vector<16xf32>
      %swap3A_35 = vector.shape_cast %broadcast_in_dim3A_5 : vector<16xf32> to vector<1x16xf32>
      tpu.vector_store %arg12[%swap3A, %swap3A_32], %swap3A_35 {strides = array<i32>} : memref<632x64xf32, #tpu.memory_space<vmem>>, vector<1x16xf32>,
      %mul3A_36 = arith.constant 2 : i32
      %mul3A_37 = arith.muli %scan3A_26, %mul3A_36 : i32
      %add3A_38 = arith.constant 0 : i32
      %add3A_39 = arith.addi %mul3A_37, %add3A_38 : i32
      %swap3A_40 = arith.index_cast %add3A_39 : i32 to index
      %swap3A_41 = arith.constant 16 : index
      %swap3A_42 = tpu.vector_load %arg12[%swap3A_40, %swap3A_41] {strides = array<i32>} : memref<632x64xf32, #tpu.memory_space<vmem>>, vector<1x16xf32>,
      %swap3A_43 = vector.shape_cast %swap3A_42 : vector<1x16xf32> to vector<16xf32>
      %swap3A_44 = vector.shape_cast %broadcast_in_dim3A_5 : vector<16xf32> to vector<1x16xf32>
      tpu.vector_store %arg12[%swap3A_40, %swap3A_41], %swap3A_44 {strides = array<i32>} : memref<632x64xf32, #tpu.memory_space<vmem>>, vector<1x16xf32>,
      %mul3A_45 = arith.constant 2 : i32
      %mul3A_46 = arith.muli %scan3A_26, %mul3A_45 : i32
      %add3A_47 = arith.constant 0 : i32
      %add3A_48 = arith.addi %mul3A_46, %add3A_47 : i32
      %swap3A_49 = arith.index_cast %add3A_48 : i32 to index
      %swap3A_50 = arith.constant 32 : index
      %swap3A_51 = tpu.vector_load %arg12[%swap3A_49, %swap3A_50] {strides = array<i32>} : memref<632x64xf32, #tpu.memory_space<vmem>>, vector<1x16xf32>,
      %swap3A_52 = vector.shape_cast %swap3A_51 : vector<1x16xf32> to vector<16xf32>
      %swap3A_53 = vector.shape_cast %broadcast_in_dim3A_5 : vector<16xf32> to vector<1x16xf32>
      tpu.vector_store %arg12[%swap3A_49, %swap3A_50], %swap3A_53 {strides = array<i32>} : memref<632x64xf32, #tpu.memory_space<vmem>>, vector<1x16xf32>,
      %mul3A_54 = arith.constant 2 : i32
      %mul3A_55 = arith.muli %scan3A_26, %mul3A_54 : i32
      %add3A_56 = arith.constant 0 : i32
      %add3A_57 = arith.addi %mul3A_55, %add3A_56 : i32
      %swap3A_58 = arith.index_cast %add3A_57 : i32 to index
      %swap3A_59 = arith.constant 48 : index
      %swap3A_60 = tpu.vector_load %arg12[%swap3A_58, %swap3A_59] {strides = array<i32>} : memref<632x64xf32, #tpu.memory_space<vmem>>, vector<1x16xf32>,
      %swap3A_61 = vector.shape_cast %swap3A_60 : vector<1x16xf32> to vector<16xf32>
      %swap3A_62 = vector.shape_cast %broadcast_in_dim3A_5 : vector<16xf32> to vector<1x16xf32>
      tpu.vector_store %arg12[%swap3A_58, %swap3A_59], %swap3A_62 {strides = array<i32>} : memref<632x64xf32, #tpu.memory_space<vmem>>, vector<1x16xf32>,
      %mul3A_63 = arith.constant 2 : i32
      %mul3A_64 = arith.muli %scan3A_26, %mul3A_63 : i32
      %add3A_65 = arith.constant 1 : i32
      %add3A_66 = arith.addi %mul3A_64, %add3A_65 : i32
      %swap3A_67 = arith.index_cast %add3A_66 : i32 to index
      %swap3A_68 = arith.constant 0 : index
      %swap3A_69 = tpu.vector_load %arg12[%swap3A_67, %swap3A_68] {strides = array<i32>} : memref<632x64xf32, #tpu.memory_space<vmem>>, vector<1x16xf32>,
      %swap3A_70 = vector.shape_cast %swap3A_69 : vector<1x16xf32> to vector<16xf32>
      %swap3A_71 = vector.shape_cast %broadcast_in_dim3A_5 : vector<16xf32> to vector<1x16xf32>
      tpu.vector_store %arg12[%swap3A_67, %swap3A_68], %swap3A_71 {strides = array<i32>} : memref<632x64xf32, #tpu.memory_space<vmem>>, vector<1x16xf32>,
      %mul3A_72 = arith.constant 2 : i32
      %mul3A_73 = arith.muli %scan3A_26, %mul3A_72 : i32
      %add3A_74 = arith.constant 1 : i32
      %add3A_75 = arith.addi %mul3A_73, %add3A_74 : i32
      %swap3A_76 = arith.index_cast %add3A_75 : i32 to index
      %swap3A_77 = arith.constant 16 : index
      %swap3A_78 = tpu.vector_load %arg12[%swap3A_76, %swap3A_77] {strides = array<i32>} : memref<632x64xf32, #tpu.memory_space<vmem>>, vector<1x16xf32>,
      %swap3A_79 = vector.shape_cast %swap3A_78 : vector<1x16xf32> to vector<16xf32>
      %swap3A_80 = vector.shape_cast %broadcast_in_dim3A_5 : vector<16xf32> to vector<1x16xf32>
      tpu.vector_store %arg12[%swap3A_76, %swap3A_77], %swap3A_80 {strides = array<i32>} : memref<632x64xf32, #tpu.memory_space<vmem>>, vector<1x16xf32>,
      %mul3A_81 = arith.constant 2 : i32
      %mul3A_82 = arith.muli %scan3A_26, %mul3A_81 : i32
      %add3A_83 = arith.constant 1 : i32
      %add3A_84 = arith.addi %mul3A_82, %add3A_83 : i32
      %swap3A_85 = arith.index_cast %add3A_84 : i32 to index
      %swap3A_86 = arith.constant 32 : index
      %swap3A_87 = tpu.vector_load %arg12[%swap3A_85, %swap3A_86] {strides = array<i32>} : memref<632x64xf32, #tpu.memory_space<vmem>>, vector<1x16xf32>,
      %swap3A_88 = vector.shape_cast %swap3A_87 : vector<1x16xf32> to vector<16xf32>
      %swap3A_89 = vector.shape_cast %broadcast_in_dim3A_5 : vector<16xf32> to vector<1x16xf32>
      tpu.vector_store %arg12[%swap3A_85, %swap3A_86], %swap3A_89 {strides = array<i32>} : memref<632x64xf32, #tpu.memory_space<vmem>>, vector<1x16xf32>,
      %mul3A_90 = arith.constant 2 : i32
      %mul3A_91 = arith.muli %scan3A_26, %mul3A_90 : i32
      %add3A_92 = arith.constant 1 : i32
      %add3A_93 = arith.addi %mul3A_91, %add3A_92 : i32
      %swap3A_94 = arith.index_cast %add3A_93 : i32 to index
      %swap3A_95 = arith.constant 48 : index
      %swap3A_96 = tpu.vector_load %arg12[%swap3A_94, %swap3A_95] {strides = array<i32>} : memref<632x64xf32, #tpu.memory_space<vmem>>, vector<1x16xf32>,
      %swap3A_97 = vector.shape_cast %swap3A_96 : vector<1x16xf32> to vector<16xf32>
      %swap3A_98 = vector.shape_cast %broadcast_in_dim3A_5 : vector<16xf32> to vector<1x16xf32>
      tpu.vector_store %arg12[%swap3A_94, %swap3A_95], %swap3A_98 {strides = array<i32>} : memref<632x64xf32, #tpu.memory_space<vmem>>, vector<1x16xf32>,
      %scan3A_99 = arith.constant 0 : i32
      scf.yield %scan3A_99 : i32
    }
    %scan3A_11 = arith.constant 316 : i32
    %mul3A_12 = arith.constant 632 : i32
    %mul3A_13 = arith.muli %arg1, %mul3A_12 : i32
    "tpu.region"() ({
      %run_scoped3A = tpu.sem_alloc : memref<!tpu.dma_semaphore, #tpu.memory_space<semaphore_mem>>
      %dma_start3A = arith.constant 0 : i32
      %dma_start3A_26 = tpu.memref_slice %arg13[%mul3A_13, %dma_start3A] : memref<10112x64xf32, #tpu.memory_space<vmem_shared>> -> memref<632x64xf32, #tpu.memory_space<vmem_shared>>
      %dma_start3A_27 = arith.constant 0 : i32
      %dma_start3A_28 = tpu.memref_slice %arg13[%mul3A_13, %dma_start3A_27] : memref<10112x64xf32, #tpu.memory_space<vmem_shared>> -> memref<632x64xf32, #tpu.memory_space<vmem_shared>>
      tpu.enqueue_dma source(%arg12 : memref<632x64xf32, #tpu.memory_space<vmem>>) target(%dma_start3A_28 : memref<632x64xf32, #tpu.memory_space<vmem_shared>>) target_semaphore(%run_scoped3A : memref<!tpu.dma_semaphore, #tpu.memory_space<semaphore_mem>>)
      %dma_wait3A = arith.constant 0 : i32
      %dma_wait3A_29 = tpu.memref_slice %arg13[%mul3A_13, %dma_wait3A] : memref<10112x64xf32, #tpu.memory_space<vmem_shared>> -> memref<632x64xf32, #tpu.memory_space<vmem_shared>>
      %dma_wait3A_30 = arith.constant 0 : i32
      %dma_wait3A_31 = tpu.memref_slice %arg13[%mul3A_13, %dma_wait3A_30] : memref<10112x64xf32, #tpu.memory_space<vmem_shared>> -> memref<632x64xf32, #tpu.memory_space<vmem_shared>>
      tpu.wait_dma2 semaphore(%run_scoped3A : memref<!tpu.dma_semaphore, #tpu.memory_space<semaphore_mem>>) src(%arg12 : memref<632x64xf32, #tpu.memory_space<vmem>>) dst(%dma_wait3A_31 : memref<632x64xf32, #tpu.memory_space<vmem_shared>>)
      tpu.yield
    }) : () -> ()
    %barrier3A = arith.constant 0 : index
    tpu.barrier barrier_id(%barrier3A)
    %scan3A_14 = arith.constant 0 : i32
    %scan3A_15 = arith.constant 0 : i32
    %scan3A_16 = arith.constant 10 : i32
    %scan3A_17 = arith.addi %scan3A_15, %scan3A_16 : i32
    %scan3A_18 = arith.constant 1 : i32
    %scan3A_19 = scf.for %scan3A_26 = %scan3A_15 to %scan3A_17 step %scan3A_18 iter_args(%scan3A_27 = %scan3A_14) -> (i32)  : i32 {
      %mul3A_28 = arith.constant 4 : i32
      %mul3A_29 = arith.muli %scan3A_26, %mul3A_28 : i32
      %add3A_30 = arith.constant 0 : i32
      %add3A_31 = arith.addi %mul3A_29, %add3A_30 : i32
      %dma_start3A = arith.constant 0 : i32
      %dma_start3A_32 = tpu.memref_slice %arg6[%add3A_31, %dma_start3A] : memref<40x128xi32, #tpu.memory_space<vmem>> -> memref<1x128xi32, #tpu.memory_space<vmem>>
      %dma_start3A_33 = tpu.memref_squeeze %dma_start3A_32 : memref<1x128xi32, #tpu.memory_space<vmem>> -> memref<128xi32, #tpu.memory_space<vmem>>
      %dma_start3A_34 = arith.constant 0 : i32
      %dma_start3A_35 = arith.constant 0 : i32
      %dma_start3A_36 = tpu.memref_slice %arg4[%dma_start3A_34, %dma_start3A_35] : memref<10000x64xf32, #tpu.memory_space<hbm>> -> memref<10000x64xf32, #tpu.memory_space<hbm>>
      tpu.enqueue_indirect_dma source(%dma_start3A_36 : memref<10000x64xf32, #tpu.memory_space<hbm>>) target(%arg8 : memref<128x64xf32, #tpu.memory_space<vmem>>) offsets(%dma_start3A_33 : memref<128xi32, #tpu.memory_space<vmem>>) semaphore(%arg14 : memref<!tpu.dma_semaphore, #tpu.memory_space<semaphore_mem>>)
      %add3A_37 = arith.constant 1 : i32
      %add3A_38 = arith.addi %mul3A_29, %add3A_37 : i32
      %dma_start3A_39 = arith.constant 0 : i32
      %dma_start3A_40 = tpu.memref_slice %arg6[%add3A_38, %dma_start3A_39] : memref<40x128xi32, #tpu.memory_space<vmem>> -> memref<1x128xi32, #tpu.memory_space<vmem>>
      %dma_start3A_41 = tpu.memref_squeeze %dma_start3A_40 : memref<1x128xi32, #tpu.memory_space<vmem>> -> memref<128xi32, #tpu.memory_space<vmem>>
      %dma_start3A_42 = arith.constant 0 : i32
      %dma_start3A_43 = arith.constant 0 : i32
      %dma_start3A_44 = tpu.memref_slice %arg4[%dma_start3A_42, %dma_start3A_43] : memref<10000x64xf32, #tpu.memory_space<hbm>> -> memref<10000x64xf32, #tpu.memory_space<hbm>>
      tpu.enqueue_indirect_dma source(%dma_start3A_44 : memref<10000x64xf32, #tpu.memory_space<hbm>>) target(%arg9 : memref<128x64xf32, #tpu.memory_space<vmem>>) offsets(%dma_start3A_41 : memref<128xi32, #tpu.memory_space<vmem>>) semaphore(%arg15 : memref<!tpu.dma_semaphore, #tpu.memory_space<semaphore_mem>>)
      %add3A_45 = arith.constant 2 : i32
      %add3A_46 = arith.addi %mul3A_29, %add3A_45 : i32
      %dma_start3A_47 = arith.constant 0 : i32
      %dma_start3A_48 = tpu.memref_slice %arg6[%add3A_46, %dma_start3A_47] : memref<40x128xi32, #tpu.memory_space<vmem>> -> memref<1x128xi32, #tpu.memory_space<vmem>>
      %dma_start3A_49 = tpu.memref_squeeze %dma_start3A_48 : memref<1x128xi32, #tpu.memory_space<vmem>> -> memref<128xi32, #tpu.memory_space<vmem>>
      %dma_start3A_50 = arith.constant 0 : i32
      %dma_start3A_51 = arith.constant 0 : i32
      %dma_start3A_52 = tpu.memref_slice %arg4[%dma_start3A_50, %dma_start3A_51] : memref<10000x64xf32, #tpu.memory_space<hbm>> -> memref<10000x64xf32, #tpu.memory_space<hbm>>
      tpu.enqueue_indirect_dma source(%dma_start3A_52 : memref<10000x64xf32, #tpu.memory_space<hbm>>) target(%arg10 : memref<128x64xf32, #tpu.memory_space<vmem>>) offsets(%dma_start3A_49 : memref<128xi32, #tpu.memory_space<vmem>>) semaphore(%arg16 : memref<!tpu.dma_semaphore, #tpu.memory_space<semaphore_mem>>)
      %add3A_53 = arith.constant 3 : i32
      %add3A_54 = arith.addi %mul3A_29, %add3A_53 : i32
      %dma_start3A_55 = arith.constant 0 : i32
      %dma_start3A_56 = tpu.memref_slice %arg6[%add3A_54, %dma_start3A_55] : memref<40x128xi32, #tpu.memory_space<vmem>> -> memref<1x128xi32, #tpu.memory_space<vmem>>
      %dma_start3A_57 = tpu.memref_squeeze %dma_start3A_56 : memref<1x128xi32, #tpu.memory_space<vmem>> -> memref<128xi32, #tpu.memory_space<vmem>>
      %dma_start3A_58 = arith.constant 0 : i32
      %dma_start3A_59 = arith.constant 0 : i32
      %dma_start3A_60 = tpu.memref_slice %arg4[%dma_start3A_58, %dma_start3A_59] : memref<10000x64xf32, #tpu.memory_space<hbm>> -> memref<10000x64xf32, #tpu.memory_space<hbm>>
      tpu.enqueue_indirect_dma source(%dma_start3A_60 : memref<10000x64xf32, #tpu.memory_space<hbm>>) target(%arg11 : memref<128x64xf32, #tpu.memory_space<vmem>>) offsets(%dma_start3A_57 : memref<128xi32, #tpu.memory_space<vmem>>) semaphore(%arg17 : memref<!tpu.dma_semaphore, #tpu.memory_space<semaphore_mem>>)
      %dma_wait3A = arith.constant 0 : i32
      %dma_wait3A_61 = tpu.memref_slice %arg6[%add3A_31, %dma_wait3A] : memref<40x128xi32, #tpu.memory_space<vmem>> -> memref<1x128xi32, #tpu.memory_space<vmem>>
      %dma_wait3A_62 = tpu.memref_squeeze %dma_wait3A_61 : memref<1x128xi32, #tpu.memory_space<vmem>> -> memref<128xi32, #tpu.memory_space<vmem>>
      %dma_wait3A_63 = arith.constant 0 : i32
      %dma_wait3A_64 = arith.constant 0 : i32
      %dma_wait3A_65 = tpu.memref_slice %arg4[%dma_wait3A_63, %dma_wait3A_64] : memref<10000x64xf32, #tpu.memory_space<hbm>> -> memref<10000x64xf32, #tpu.memory_space<hbm>>
      tpu.wait_indirect_dma semaphore(%arg14 : memref<!tpu.dma_semaphore, #tpu.memory_space<semaphore_mem>>) src(%dma_wait3A_65 : memref<10000x64xf32, #tpu.memory_space<hbm>>) dst(%arg8 : memref<128x64xf32, #tpu.memory_space<vmem>>)
      %add3A_66 = arith.constant 0 : i32
      %add3A_67 = arith.addi %mul3A_29, %add3A_66 : i32
      %dma_start3A_68 = arith.constant 0 : i32
      %dma_start3A_69 = tpu.memref_slice %arg7[%add3A_67, %dma_start3A_68] : memref<40x128xi32, #tpu.memory_space<vmem>> -> memref<1x128xi32, #tpu.memory_space<vmem>>
      %dma_start3A_70 = tpu.memref_squeeze %dma_start3A_69 : memref<1x128xi32, #tpu.memory_space<vmem>> -> memref<128xi32, #tpu.memory_space<vmem>>
      %dma_start3A_71 = arith.constant 0 : i32
      %dma_start3A_72 = arith.constant 0 : i32
      %dma_start3A_73 = tpu.memref_slice %arg13[%dma_start3A_71, %dma_start3A_72] : memref<10112x64xf32, #tpu.memory_space<vmem_shared>> -> memref<10112x64xf32, #tpu.memory_space<vmem_shared>>
      tpu.enqueue_indirect_dma source(%arg8 : memref<128x64xf32, #tpu.memory_space<vmem>>) target(%dma_start3A_73 : memref<10112x64xf32, #tpu.memory_space<vmem_shared>>) offsets(%dma_start3A_70 : memref<128xi32, #tpu.memory_space<vmem>>) semaphore(%arg18 : memref<!tpu.dma_semaphore, #tpu.memory_space<semaphore_mem>>) {add = true}
      %dma_wait3A_74 = arith.constant 0 : i32
      %dma_wait3A_75 = tpu.memref_slice %arg6[%add3A_38, %dma_wait3A_74] : memref<40x128xi32, #tpu.memory_space<vmem>> -> memref<1x128xi32, #tpu.memory_space<vmem>>
      %dma_wait3A_76 = tpu.memref_squeeze %dma_wait3A_75 : memref<1x128xi32, #tpu.memory_space<vmem>> -> memref<128xi32, #tpu.memory_space<vmem>>
      %dma_wait3A_77 = arith.constant 0 : i32
      %dma_wait3A_78 = arith.constant 0 : i32
      %dma_wait3A_79 = tpu.memref_slice %arg4[%dma_wait3A_77, %dma_wait3A_78] : memref<10000x64xf32, #tpu.memory_space<hbm>> -> memref<10000x64xf32, #tpu.memory_space<hbm>>
      tpu.wait_indirect_dma semaphore(%arg15 : memref<!tpu.dma_semaphore, #tpu.memory_space<semaphore_mem>>) src(%dma_wait3A_79 : memref<10000x64xf32, #tpu.memory_space<hbm>>) dst(%arg9 : memref<128x64xf32, #tpu.memory_space<vmem>>)
      %add3A_80 = arith.constant 1 : i32
      %add3A_81 = arith.addi %mul3A_29, %add3A_80 : i32
      %dma_start3A_82 = arith.constant 0 : i32
      %dma_start3A_83 = tpu.memref_slice %arg7[%add3A_81, %dma_start3A_82] : memref<40x128xi32, #tpu.memory_space<vmem>> -> memref<1x128xi32, #tpu.memory_space<vmem>>
      %dma_start3A_84 = tpu.memref_squeeze %dma_start3A_83 : memref<1x128xi32, #tpu.memory_space<vmem>> -> memref<128xi32, #tpu.memory_space<vmem>>
      %dma_start3A_85 = arith.constant 0 : i32
      %dma_start3A_86 = arith.constant 0 : i32
      %dma_start3A_87 = tpu.memref_slice %arg13[%dma_start3A_85, %dma_start3A_86] : memref<10112x64xf32, #tpu.memory_space<vmem_shared>> -> memref<10112x64xf32, #tpu.memory_space<vmem_shared>>
      tpu.enqueue_indirect_dma source(%arg9 : memref<128x64xf32, #tpu.memory_space<vmem>>) target(%dma_start3A_87 : memref<10112x64xf32, #tpu.memory_space<vmem_shared>>) offsets(%dma_start3A_84 : memref<128xi32, #tpu.memory_space<vmem>>) semaphore(%arg19 : memref<!tpu.dma_semaphore, #tpu.memory_space<semaphore_mem>>) {add = true}
      %dma_wait3A_88 = arith.constant 0 : i32
      %dma_wait3A_89 = tpu.memref_slice %arg6[%add3A_46, %dma_wait3A_88] : memref<40x128xi32, #tpu.memory_space<vmem>> -> memref<1x128xi32, #tpu.memory_space<vmem>>
      %dma_wait3A_90 = tpu.memref_squeeze %dma_wait3A_89 : memref<1x128xi32, #tpu.memory_space<vmem>> -> memref<128xi32, #tpu.memory_space<vmem>>
      %dma_wait3A_91 = arith.constant 0 : i32
      %dma_wait3A_92 = arith.constant 0 : i32
      %dma_wait3A_93 = tpu.memref_slice %arg4[%dma_wait3A_91, %dma_wait3A_92] : memref<10000x64xf32, #tpu.memory_space<hbm>> -> memref<10000x64xf32, #tpu.memory_space<hbm>>
      tpu.wait_indirect_dma semaphore(%arg16 : memref<!tpu.dma_semaphore, #tpu.memory_space<semaphore_mem>>) src(%dma_wait3A_93 : memref<10000x64xf32, #tpu.memory_space<hbm>>) dst(%arg10 : memref<128x64xf32, #tpu.memory_space<vmem>>)
      %add3A_94 = arith.constant 2 : i32
      %add3A_95 = arith.addi %mul3A_29, %add3A_94 : i32
      %dma_start3A_96 = arith.constant 0 : i32
      %dma_start3A_97 = tpu.memref_slice %arg7[%add3A_95, %dma_start3A_96] : memref<40x128xi32, #tpu.memory_space<vmem>> -> memref<1x128xi32, #tpu.memory_space<vmem>>
      %dma_start3A_98 = tpu.memref_squeeze %dma_start3A_97 : memref<1x128xi32, #tpu.memory_space<vmem>> -> memref<128xi32, #tpu.memory_space<vmem>>
      %dma_start3A_99 = arith.constant 0 : i32
      %dma_start3A_100 = arith.constant 0 : i32
      %dma_start3A_101 = tpu.memref_slice %arg13[%dma_start3A_99, %dma_start3A_100] : memref<10112x64xf32, #tpu.memory_space<vmem_shared>> -> memref<10112x64xf32, #tpu.memory_space<vmem_shared>>
      tpu.enqueue_indirect_dma source(%arg10 : memref<128x64xf32, #tpu.memory_space<vmem>>) target(%dma_start3A_101 : memref<10112x64xf32, #tpu.memory_space<vmem_shared>>) offsets(%dma_start3A_98 : memref<128xi32, #tpu.memory_space<vmem>>) semaphore(%arg20 : memref<!tpu.dma_semaphore, #tpu.memory_space<semaphore_mem>>) {add = true}
      %dma_wait3A_102 = arith.constant 0 : i32
      %dma_wait3A_103 = tpu.memref_slice %arg6[%add3A_54, %dma_wait3A_102] : memref<40x128xi32, #tpu.memory_space<vmem>> -> memref<1x128xi32, #tpu.memory_space<vmem>>
      %dma_wait3A_104 = tpu.memref_squeeze %dma_wait3A_103 : memref<1x128xi32, #tpu.memory_space<vmem>> -> memref<128xi32, #tpu.memory_space<vmem>>
      %dma_wait3A_105 = arith.constant 0 : i32
      %dma_wait3A_106 = arith.constant 0 : i32
      %dma_wait3A_107 = tpu.memref_slice %arg4[%dma_wait3A_105, %dma_wait3A_106] : memref<10000x64xf32, #tpu.memory_space<hbm>> -> memref<10000x64xf32, #tpu.memory_space<hbm>>
      tpu.wait_indirect_dma semaphore(%arg17 : memref<!tpu.dma_semaphore, #tpu.memory_space<semaphore_mem>>) src(%dma_wait3A_107 : memref<10000x64xf32, #tpu.memory_space<hbm>>) dst(%arg11 : memref<128x64xf32, #tpu.memory_space<vmem>>)
      %add3A_108 = arith.constant 3 : i32
      %add3A_109 = arith.addi %mul3A_29, %add3A_108 : i32
      %dma_start3A_110 = arith.constant 0 : i32
      %dma_start3A_111 = tpu.memref_slice %arg7[%add3A_109, %dma_start3A_110] : memref<40x128xi32, #tpu.memory_space<vmem>> -> memref<1x128xi32, #tpu.memory_space<vmem>>
      %dma_start3A_112 = tpu.memref_squeeze %dma_start3A_111 : memref<1x128xi32, #tpu.memory_space<vmem>> -> memref<128xi32, #tpu.memory_space<vmem>>
      %dma_start3A_113 = arith.constant 0 : i32
      %dma_start3A_114 = arith.constant 0 : i32
      %dma_start3A_115 = tpu.memref_slice %arg13[%dma_start3A_113, %dma_start3A_114] : memref<10112x64xf32, #tpu.memory_space<vmem_shared>> -> memref<10112x64xf32, #tpu.memory_space<vmem_shared>>
      tpu.enqueue_indirect_dma source(%arg11 : memref<128x64xf32, #tpu.memory_space<vmem>>) target(%dma_start3A_115 : memref<10112x64xf32, #tpu.memory_space<vmem_shared>>) offsets(%dma_start3A_112 : memref<128xi32, #tpu.memory_space<vmem>>) semaphore(%arg21 : memref<!tpu.dma_semaphore, #tpu.memory_space<semaphore_mem>>) {add = true}
      %dma_wait3A_116 = arith.constant 0 : i32
      %dma_wait3A_117 = tpu.memref_slice %arg7[%add3A_67, %dma_wait3A_116] : memref<40x128xi32, #tpu.memory_space<vmem>> -> memref<1x128xi32, #tpu.memory_space<vmem>>
      %dma_wait3A_118 = tpu.memref_squeeze %dma_wait3A_117 : memref<1x128xi32, #tpu.memory_space<vmem>> -> memref<128xi32, #tpu.memory_space<vmem>>
      %dma_wait3A_119 = arith.constant 0 : i32
      %dma_wait3A_120 = arith.constant 0 : i32
      %dma_wait3A_121 = tpu.memref_slice %arg13[%dma_wait3A_119, %dma_wait3A_120] : memref<10112x64xf32, #tpu.memory_space<vmem_shared>> -> memref<10112x64xf32, #tpu.memory_space<vmem_shared>>
      tpu.wait_indirect_dma semaphore(%arg18 : memref<!tpu.dma_semaphore, #tpu.memory_space<semaphore_mem>>) src(%arg8 : memref<128x64xf32, #tpu.memory_space<vmem>>) dst(%dma_wait3A_121 : memref<10112x64xf32, #tpu.memory_space<vmem_shared>>)
      %dma_wait3A_122 = arith.constant 0 : i32
      %dma_wait3A_123 = tpu.memref_slice %arg7[%add3A_81, %dma_wait3A_122] : memref<40x128xi32, #tpu.memory_space<vmem>> -> memref<1x128xi32, #tpu.memory_space<vmem>>
      %dma_wait3A_124 = tpu.memref_squeeze %dma_wait3A_123 : memref<1x128xi32, #tpu.memory_space<vmem>> -> memref<128xi32, #tpu.memory_space<vmem>>
      %dma_wait3A_125 = arith.constant 0 : i32
      %dma_wait3A_126 = arith.constant 0 : i32
      %dma_wait3A_127 = tpu.memref_slice %arg13[%dma_wait3A_125, %dma_wait3A_126] : memref<10112x64xf32, #tpu.memory_space<vmem_shared>> -> memref<10112x64xf32, #tpu.memory_space<vmem_shared>>
      tpu.wait_indirect_dma semaphore(%arg19 : memref<!tpu.dma_semaphore, #tpu.memory_space<semaphore_mem>>) src(%arg9 : memref<128x64xf32, #tpu.memory_space<vmem>>) dst(%dma_wait3A_127 : memref<10112x64xf32, #tpu.memory_space<vmem_shared>>)
      %dma_wait3A_128 = arith.constant 0 : i32
      %dma_wait3A_129 = tpu.memref_slice %arg7[%add3A_95, %dma_wait3A_128] : memref<40x128xi32, #tpu.memory_space<vmem>> -> memref<1x128xi32, #tpu.memory_space<vmem>>
      %dma_wait3A_130 = tpu.memref_squeeze %dma_wait3A_129 : memref<1x128xi32, #tpu.memory_space<vmem>> -> memref<128xi32, #tpu.memory_space<vmem>>
      %dma_wait3A_131 = arith.constant 0 : i32
      %dma_wait3A_132 = arith.constant 0 : i32
      %dma_wait3A_133 = tpu.memref_slice %arg13[%dma_wait3A_131, %dma_wait3A_132] : memref<10112x64xf32, #tpu.memory_space<vmem_shared>> -> memref<10112x64xf32, #tpu.memory_space<vmem_shared>>
      tpu.wait_indirect_dma semaphore(%arg20 : memref<!tpu.dma_semaphore, #tpu.memory_space<semaphore_mem>>) src(%arg10 : memref<128x64xf32, #tpu.memory_space<vmem>>) dst(%dma_wait3A_133 : memref<10112x64xf32, #tpu.memory_space<vmem_shared>>)
      %dma_wait3A_134 = arith.constant 0 : i32
      %dma_wait3A_135 = tpu.memref_slice %arg7[%add3A_109, %dma_wait3A_134] : memref<40x128xi32, #tpu.memory_space<vmem>> -> memref<1x128xi32, #tpu.memory_space<vmem>>
      %dma_wait3A_136 = tpu.memref_squeeze %dma_wait3A_135 : memref<1x128xi32, #tpu.memory_space<vmem>> -> memref<128xi32, #tpu.memory_space<vmem>>
      %dma_wait3A_137 = arith.constant 0 : i32
      %dma_wait3A_138 = arith.constant 0 : i32
      %dma_wait3A_139 = tpu.memref_slice %arg13[%dma_wait3A_137, %dma_wait3A_138] : memref<10112x64xf32, #tpu.memory_space<vmem_shared>> -> memref<10112x64xf32, #tpu.memory_space<vmem_shared>>
      tpu.wait_indirect_dma semaphore(%arg21 : memref<!tpu.dma_semaphore, #tpu.memory_space<semaphore_mem>>) src(%arg11 : memref<128x64xf32, #tpu.memory_space<vmem>>) dst(%dma_wait3A_139 : memref<10112x64xf32, #tpu.memory_space<vmem_shared>>)
      %scan3A_140 = arith.constant 0 : i32
      scf.yield %scan3A_140 : i32
    }
    %scan3A_20 = arith.constant 10 : i32
    %barrier3A_21 = arith.constant 0 : index
    tpu.barrier barrier_id(%barrier3A_21)
    %mul3A_22 = arith.constant 632 : i32
    %mul3A_23 = arith.muli %arg1, %mul3A_22 : i32
    "tpu.region"() ({
      %run_scoped3A = tpu.sem_alloc : memref<!tpu.dma_semaphore, #tpu.memory_space<semaphore_mem>>
      %dma_start3A = arith.constant 0 : i32
      %dma_start3A_26 = tpu.memref_slice %arg13[%mul3A_23, %dma_start3A] : memref<10112x64xf32, #tpu.memory_space<vmem_shared>> -> memref<632x64xf32, #tpu.memory_space<vmem_shared>>
      %dma_start3A_27 = arith.constant 0 : i32
      %dma_start3A_28 = tpu.memref_slice %arg13[%mul3A_23, %dma_start3A_27] : memref<10112x64xf32, #tpu.memory_space<vmem_shared>> -> memref<632x64xf32, #tpu.memory_space<vmem_shared>>
      tpu.enqueue_dma source(%dma_start3A_28 : memref<632x64xf32, #tpu.memory_space<vmem_shared>>) target(%arg12 : memref<632x64xf32, #tpu.memory_space<vmem>>) target_semaphore(%run_scoped3A : memref<!tpu.dma_semaphore, #tpu.memory_space<semaphore_mem>>)
      %dma_wait3A = arith.constant 0 : i32
      %dma_wait3A_29 = tpu.memref_slice %arg13[%mul3A_23, %dma_wait3A] : memref<10112x64xf32, #tpu.memory_space<vmem_shared>> -> memref<632x64xf32, #tpu.memory_space<vmem_shared>>
      %dma_wait3A_30 = arith.constant 0 : i32
      %dma_wait3A_31 = tpu.memref_slice %arg13[%mul3A_23, %dma_wait3A_30] : memref<10112x64xf32, #tpu.memory_space<vmem_shared>> -> memref<632x64xf32, #tpu.memory_space<vmem_shared>>
      tpu.wait_dma2 semaphore(%run_scoped3A : memref<!tpu.dma_semaphore, #tpu.memory_space<semaphore_mem>>) src(%dma_wait3A_31 : memref<632x64xf32, #tpu.memory_space<vmem_shared>>) dst(%arg12 : memref<632x64xf32, #tpu.memory_space<vmem>>)
      tpu.yield
    }) : () -> ()
    %mul3A_24 = arith.constant 632 : i32
    %mul3A_25 = arith.muli %arg1, %mul3A_24 : i32
    "tpu.region"() ({
      %run_scoped3A = tpu.sem_alloc : memref<!tpu.dma_semaphore, #tpu.memory_space<semaphore_mem>>
      %dma_start3A = arith.constant 0 : i32
      %dma_start3A_26 = tpu.memref_slice %arg5[%arg0, %mul3A_25, %dma_start3A] : memref<2x10112x64xf32, #tpu.memory_space<hbm>> -> memref<1x632x64xf32, #tpu.memory_space<hbm>>
      %dma_start3A_27 = tpu.memref_squeeze %dma_start3A_26 : memref<1x632x64xf32, #tpu.memory_space<hbm>> -> memref<632x64xf32, #tpu.memory_space<hbm>>
      %dma_start3A_28 = arith.constant 0 : i32
      %dma_start3A_29 = tpu.memref_slice %arg5[%arg0, %mul3A_25, %dma_start3A_28] : memref<2x10112x64xf32, #tpu.memory_space<hbm>> -> memref<1x632x64xf32, #tpu.memory_space<hbm>>
      %dma_start3A_30 = tpu.memref_squeeze %dma_start3A_29 : memref<1x632x64xf32, #tpu.memory_space<hbm>> -> memref<632x64xf32, #tpu.memory_space<hbm>>
      tpu.enqueue_dma source(%arg12 : memref<632x64xf32, #tpu.memory_space<vmem>>) target(%dma_start3A_30 : memref<632x64xf32, #tpu.memory_space<hbm>>) target_semaphore(%run_scoped3A : memref<!tpu.dma_semaphore, #tpu.memory_space<semaphore_mem>>)
      %dma_wait3A = arith.constant 0 : i32
      %dma_wait3A_31 = tpu.memref_slice %arg5[%arg0, %mul3A_25, %dma_wait3A] : memref<2x10112x64xf32, #tpu.memory_space<hbm>> -> memref<1x632x64xf32, #tpu.memory_space<hbm>>
      %dma_wait3A_32 = tpu.memref_squeeze %dma_wait3A_31 : memref<1x632x64xf32, #tpu.memory_space<hbm>> -> memref<632x64xf32, #tpu.memory_space<hbm>>
      %dma_wait3A_33 = arith.constant 0 : i32
      %dma_wait3A_34 = tpu.memref_slice %arg5[%arg0, %mul3A_25, %dma_wait3A_33] : memref<2x10112x64xf32, #tpu.memory_space<hbm>> -> memref<1x632x64xf32, #tpu.memory_space<hbm>>
      %dma_wait3A_35 = tpu.memref_squeeze %dma_wait3A_34 : memref<1x632x64xf32, #tpu.memory_space<hbm>> -> memref<632x64xf32, #tpu.memory_space<hbm>>
      tpu.wait_dma2 semaphore(%run_scoped3A : memref<!tpu.dma_semaphore, #tpu.memory_space<semaphore_mem>>) src(%arg12 : memref<632x64xf32, #tpu.memory_space<vmem>>) dst(%dma_wait3A_35 : memref<632x64xf32, #tpu.memory_space<hbm>>)
      tpu.yield
    }) : () -> ()
    return
  }
}

#map = affine_map<(d0, d1) -> (0, 0)>
#map1 = affine_map<(d0, d1) -> (0, 0, 0)>
module attributes {stable_mosaic.version = 14 : i64} {
  func.func @prop_kernel(%arg0: i32, %arg1: i32, %arg2: memref<1280x128xi32, #tpu.memory_space<hbm>>, %arg3: memref<1280x128xi32, #tpu.memory_space<hbm>>, %arg4: memref<10000x64xf32, #tpu.memory_space<hbm>>, %arg5: memref<2x10112x64xf32, #tpu.memory_space<hbm>>, %arg6: memref<40x128xi32, #tpu.memory_space<vmem>>, %arg7: memref<40x128xi32, #tpu.memory_space<vmem>>, %arg8: memref<128x64xf32, #tpu.memory_space<vmem>>, %arg9: memref<128x64xf32, #tpu.memory_space<vmem>>, %arg10: memref<128x64xf32, #tpu.memory_space<vmem>>, %arg11: memref<128x64xf32, #tpu.memory_space<vmem>>, %arg12: memref<632x64xf32, #tpu.memory_space<vmem>>, %arg13: memref<10112x64xf32, #tpu.memory_space<vmem_shared>>, %arg14: memref<!tpu.dma_semaphore, #tpu.memory_space<semaphore_mem>>, %arg15: memref<!tpu.dma_semaphore, #tpu.memory_space<semaphore_mem>>, %arg16: memref<!tpu.dma_semaphore, #tpu.memory_space<semaphore_mem>>, %arg17: memref<!tpu.dma_semaphore, #tpu.memory_space<semaphore_mem>>, %arg18: memref<!tpu.dma_semaphore, #tpu.memory_space<semaphore_mem>>, %arg19: memref<!tpu.dma_semaphore, #tpu.memory_space<semaphore_mem>>, %arg20: memref<!tpu.dma_semaphore, #tpu.memory_space<semaphore_mem>>, %arg21: memref<!tpu.dma_semaphore, #tpu.memory_space<semaphore_mem>>) attributes {dimension_semantics = [#tpu.dimension_semantics<core_parallel>, #tpu.dimension_semantics<subcore_parallel>], iteration_bounds = array<i64: 2, 16>, scalar_prefetch = 0 : i64, scratch_operands = 16 : i64, tpu.core_type = #tpu.core_type<sc_vector_subcore>, window_params = [{transform_indices = #map}, {transform_indices = #map}, {transform_indices = #map}, {transform_indices = #map1}]} {
    %mul3A = arith.constant 16 : i32
    %mul3A_0 = arith.muli %arg0, %mul3A : i32
    %add3A = arith.addi %mul3A_0, %arg1 : i32
    %mul3A_1 = arith.constant 40 : i32
    %mul3A_2 = arith.muli %add3A, %mul3A_1 : i32
    "tpu.region"() ({
      %run_scoped3A = tpu.sem_alloc : memref<!tpu.dma_semaphore, #tpu.memory_space<semaphore_mem>>
      %dma_start3A = arith.constant 0 : i32
      %dma_start3A_26 = tpu.memref_slice %arg2[%mul3A_2, %dma_start3A] : memref<1280x128xi32, #tpu.memory_space<hbm>> -> memref<40x128xi32, #tpu.memory_space<hbm>>
      %dma_start3A_27 = arith.constant 0 : i32
      %dma_start3A_28 = tpu.memref_slice %arg2[%mul3A_2, %dma_start3A_27] : memref<1280x128xi32, #tpu.memory_space<hbm>> -> memref<40x128xi32, #tpu.memory_space<hbm>>
      tpu.enqueue_dma source(%dma_start3A_28 : memref<40x128xi32, #tpu.memory_space<hbm>>) target(%arg6 : memref<40x128xi32, #tpu.memory_space<vmem>>) target_semaphore(%run_scoped3A : memref<!tpu.dma_semaphore, #tpu.memory_space<semaphore_mem>>)
      %dma_wait3A = arith.constant 0 : i32
      %dma_wait3A_29 = tpu.memref_slice %arg2[%mul3A_2, %dma_wait3A] : memref<1280x128xi32, #tpu.memory_space<hbm>> -> memref<40x128xi32, #tpu.memory_space<hbm>>
      %dma_wait3A_30 = arith.constant 0 : i32
      %dma_wait3A_31 = tpu.memref_slice %arg2[%mul3A_2, %dma_wait3A_30] : memref<1280x128xi32, #tpu.memory_space<hbm>> -> memref<40x128xi32, #tpu.memory_space<hbm>>
      tpu.wait_dma2 semaphore(%run_scoped3A : memref<!tpu.dma_semaphore, #tpu.memory_space<semaphore_mem>>) src(%dma_wait3A_31 : memref<40x128xi32, #tpu.memory_space<hbm>>) dst(%arg6 : memref<40x128xi32, #tpu.memory_space<vmem>>)
      tpu.yield
    }) : () -> ()
    %mul3A_3 = arith.constant 40 : i32
    %mul3A_4 = arith.muli %add3A, %mul3A_3 : i32
    "tpu.region"() ({
      %run_scoped3A = tpu.sem_alloc : memref<!tpu.dma_semaphore, #tpu.memory_space<semaphore_mem>>
      %dma_start3A = arith.constant 0 : i32
      %dma_start3A_26 = tpu.memref_slice %arg3[%mul3A_4, %dma_start3A] : memref<1280x128xi32, #tpu.memory_space<hbm>> -> memref<40x128xi32, #tpu.memory_space<hbm>>
      %dma_start3A_27 = arith.constant 0 : i32
      %dma_start3A_28 = tpu.memref_slice %arg3[%mul3A_4, %dma_start3A_27] : memref<1280x128xi32, #tpu.memory_space<hbm>> -> memref<40x128xi32, #tpu.memory_space<hbm>>
      tpu.enqueue_dma source(%dma_start3A_28 : memref<40x128xi32, #tpu.memory_space<hbm>>) target(%arg7 : memref<40x128xi32, #tpu.memory_space<vmem>>) target_semaphore(%run_scoped3A : memref<!tpu.dma_semaphore, #tpu.memory_space<semaphore_mem>>)
      %dma_wait3A = arith.constant 0 : i32
      %dma_wait3A_29 = tpu.memref_slice %arg3[%mul3A_4, %dma_wait3A] : memref<1280x128xi32, #tpu.memory_space<hbm>> -> memref<40x128xi32, #tpu.memory_space<hbm>>
      %dma_wait3A_30 = arith.constant 0 : i32
      %dma_wait3A_31 = tpu.memref_slice %arg3[%mul3A_4, %dma_wait3A_30] : memref<1280x128xi32, #tpu.memory_space<hbm>> -> memref<40x128xi32, #tpu.memory_space<hbm>>
      tpu.wait_dma2 semaphore(%run_scoped3A : memref<!tpu.dma_semaphore, #tpu.memory_space<semaphore_mem>>) src(%dma_wait3A_31 : memref<40x128xi32, #tpu.memory_space<hbm>>) dst(%arg7 : memref<40x128xi32, #tpu.memory_space<vmem>>)
      tpu.yield
    }) : () -> ()
    %broadcast_in_dim3A = arith.constant 0.000000e+00 : f32
    %broadcast_in_dim3A_5 = vector.broadcast %broadcast_in_dim3A : f32 to vector<16xf32>
    %scan3A = arith.constant 0 : i32
    %scan3A_6 = arith.constant 0 : i32
    %scan3A_7 = arith.constant 316 : i32
    %scan3A_8 = arith.addi %scan3A_6, %scan3A_7 : i32
    %scan3A_9 = arith.constant 1 : i32
    %scan3A_10 = scf.for %scan3A_26 = %scan3A_6 to %scan3A_8 step %scan3A_9 iter_args(%scan3A_27 = %scan3A) -> (i32)  : i32 {
      %mul3A_28 = arith.constant 2 : i32
      %mul3A_29 = arith.muli %scan3A_26, %mul3A_28 : i32
      %add3A_30 = arith.constant 0 : i32
      %add3A_31 = arith.addi %mul3A_29, %add3A_30 : i32
      %swap3A = arith.index_cast %add3A_31 : i32 to index
      %swap3A_32 = arith.constant 0 : index
      %swap3A_33 = tpu.vector_load %arg12[%swap3A, %swap3A_32] {strides = array<i32>} : memref<632x64xf32, #tpu.memory_space<vmem>>, vector<1x16xf32>,
      %swap3A_34 = vector.shape_cast %swap3A_33 : vector<1x16xf32> to vector<16xf32>
      %swap3A_35 = vector.shape_cast %broadcast_in_dim3A_5 : vector<16xf32> to vector<1x16xf32>
      tpu.vector_store %arg12[%swap3A, %swap3A_32], %swap3A_35 {strides = array<i32>} : memref<632x64xf32, #tpu.memory_space<vmem>>, vector<1x16xf32>,
      %mul3A_36 = arith.constant 2 : i32
      %mul3A_37 = arith.muli %scan3A_26, %mul3A_36 : i32
      %add3A_38 = arith.constant 0 : i32
      %add3A_39 = arith.addi %mul3A_37, %add3A_38 : i32
      %swap3A_40 = arith.index_cast %add3A_39 : i32 to index
      %swap3A_41 = arith.constant 16 : index
      %swap3A_42 = tpu.vector_load %arg12[%swap3A_40, %swap3A_41] {strides = array<i32>} : memref<632x64xf32, #tpu.memory_space<vmem>>, vector<1x16xf32>,
      %swap3A_43 = vector.shape_cast %swap3A_42 : vector<1x16xf32> to vector<16xf32>
      %swap3A_44 = vector.shape_cast %broadcast_in_dim3A_5 : vector<16xf32> to vector<1x16xf32>
      tpu.vector_store %arg12[%swap3A_40, %swap3A_41], %swap3A_44 {strides = array<i32>} : memref<632x64xf32, #tpu.memory_space<vmem>>, vector<1x16xf32>,
      %mul3A_45 = arith.constant 2 : i32
      %mul3A_46 = arith.muli %scan3A_26, %mul3A_45 : i32
      %add3A_47 = arith.constant 0 : i32
      %add3A_48 = arith.addi %mul3A_46, %add3A_47 : i32
      %swap3A_49 = arith.index_cast %add3A_48 : i32 to index
      %swap3A_50 = arith.constant 32 : index
      %swap3A_51 = tpu.vector_load %arg12[%swap3A_49, %swap3A_50] {strides = array<i32>} : memref<632x64xf32, #tpu.memory_space<vmem>>, vector<1x16xf32>,
      %swap3A_52 = vector.shape_cast %swap3A_51 : vector<1x16xf32> to vector<16xf32>
      %swap3A_53 = vector.shape_cast %broadcast_in_dim3A_5 : vector<16xf32> to vector<1x16xf32>
      tpu.vector_store %arg12[%swap3A_49, %swap3A_50], %swap3A_53 {strides = array<i32>} : memref<632x64xf32, #tpu.memory_space<vmem>>, vector<1x16xf32>,
      %mul3A_54 = arith.constant 2 : i32
      %mul3A_55 = arith.muli %scan3A_26, %mul3A_54 : i32
      %add3A_56 = arith.constant 0 : i32
      %add3A_57 = arith.addi %mul3A_55, %add3A_56 : i32
      %swap3A_58 = arith.index_cast %add3A_57 : i32 to index
      %swap3A_59 = arith.constant 48 : index
      %swap3A_60 = tpu.vector_load %arg12[%swap3A_58, %swap3A_59] {strides = array<i32>} : memref<632x64xf32, #tpu.memory_space<vmem>>, vector<1x16xf32>,
      %swap3A_61 = vector.shape_cast %swap3A_60 : vector<1x16xf32> to vector<16xf32>
      %swap3A_62 = vector.shape_cast %broadcast_in_dim3A_5 : vector<16xf32> to vector<1x16xf32>
      tpu.vector_store %arg12[%swap3A_58, %swap3A_59], %swap3A_62 {strides = array<i32>} : memref<632x64xf32, #tpu.memory_space<vmem>>, vector<1x16xf32>,
      %mul3A_63 = arith.constant 2 : i32
      %mul3A_64 = arith.muli %scan3A_26, %mul3A_63 : i32
      %add3A_65 = arith.constant 1 : i32
      %add3A_66 = arith.addi %mul3A_64, %add3A_65 : i32
      %swap3A_67 = arith.index_cast %add3A_66 : i32 to index
      %swap3A_68 = arith.constant 0 : index
      %swap3A_69 = tpu.vector_load %arg12[%swap3A_67, %swap3A_68] {strides = array<i32>} : memref<632x64xf32, #tpu.memory_space<vmem>>, vector<1x16xf32>,
      %swap3A_70 = vector.shape_cast %swap3A_69 : vector<1x16xf32> to vector<16xf32>
      %swap3A_71 = vector.shape_cast %broadcast_in_dim3A_5 : vector<16xf32> to vector<1x16xf32>
      tpu.vector_store %arg12[%swap3A_67, %swap3A_68], %swap3A_71 {strides = array<i32>} : memref<632x64xf32, #tpu.memory_space<vmem>>, vector<1x16xf32>,
      %mul3A_72 = arith.constant 2 : i32
      %mul3A_73 = arith.muli %scan3A_26, %mul3A_72 : i32
      %add3A_74 = arith.constant 1 : i32
      %add3A_75 = arith.addi %mul3A_73, %add3A_74 : i32
      %swap3A_76 = arith.index_cast %add3A_75 : i32 to index
      %swap3A_77 = arith.constant 16 : index
      %swap3A_78 = tpu.vector_load %arg12[%swap3A_76, %swap3A_77] {strides = array<i32>} : memref<632x64xf32, #tpu.memory_space<vmem>>, vector<1x16xf32>,
      %swap3A_79 = vector.shape_cast %swap3A_78 : vector<1x16xf32> to vector<16xf32>
      %swap3A_80 = vector.shape_cast %broadcast_in_dim3A_5 : vector<16xf32> to vector<1x16xf32>
      tpu.vector_store %arg12[%swap3A_76, %swap3A_77], %swap3A_80 {strides = array<i32>} : memref<632x64xf32, #tpu.memory_space<vmem>>, vector<1x16xf32>,
      %mul3A_81 = arith.constant 2 : i32
      %mul3A_82 = arith.muli %scan3A_26, %mul3A_81 : i32
      %add3A_83 = arith.constant 1 : i32
      %add3A_84 = arith.addi %mul3A_82, %add3A_83 : i32
      %swap3A_85 = arith.index_cast %add3A_84 : i32 to index
      %swap3A_86 = arith.constant 32 : index
      %swap3A_87 = tpu.vector_load %arg12[%swap3A_85, %swap3A_86] {strides = array<i32>} : memref<632x64xf32, #tpu.memory_space<vmem>>, vector<1x16xf32>,
      %swap3A_88 = vector.shape_cast %swap3A_87 : vector<1x16xf32> to vector<16xf32>
      %swap3A_89 = vector.shape_cast %broadcast_in_dim3A_5 : vector<16xf32> to vector<1x16xf32>
      tpu.vector_store %arg12[%swap3A_85, %swap3A_86], %swap3A_89 {strides = array<i32>} : memref<632x64xf32, #tpu.memory_space<vmem>>, vector<1x16xf32>,
      %mul3A_90 = arith.constant 2 : i32
      %mul3A_91 = arith.muli %scan3A_26, %mul3A_90 : i32
      %add3A_92 = arith.constant 1 : i32
      %add3A_93 = arith.addi %mul3A_91, %add3A_92 : i32
      %swap3A_94 = arith.index_cast %add3A_93 : i32 to index
      %swap3A_95 = arith.constant 48 : index
      %swap3A_96 = tpu.vector_load %arg12[%swap3A_94, %swap3A_95] {strides = array<i32>} : memref<632x64xf32, #tpu.memory_space<vmem>>, vector<1x16xf32>,
      %swap3A_97 = vector.shape_cast %swap3A_96 : vector<1x16xf32> to vector<16xf32>
      %swap3A_98 = vector.shape_cast %broadcast_in_dim3A_5 : vector<16xf32> to vector<1x16xf32>
      tpu.vector_store %arg12[%swap3A_94, %swap3A_95], %swap3A_98 {strides = array<i32>} : memref<632x64xf32, #tpu.memory_space<vmem>>, vector<1x16xf32>,
      %scan3A_99 = arith.constant 0 : i32
      scf.yield %scan3A_99 : i32
    }
    %scan3A_11 = arith.constant 316 : i32
    %mul3A_12 = arith.constant 632 : i32
    %mul3A_13 = arith.muli %arg1, %mul3A_12 : i32
    "tpu.region"() ({
      %run_scoped3A = tpu.sem_alloc : memref<!tpu.dma_semaphore, #tpu.memory_space<semaphore_mem>>
      %dma_start3A = arith.constant 0 : i32
      %dma_start3A_26 = tpu.memref_slice %arg13[%mul3A_13, %dma_start3A] : memref<10112x64xf32, #tpu.memory_space<vmem_shared>> -> memref<632x64xf32, #tpu.memory_space<vmem_shared>>
      %dma_start3A_27 = arith.constant 0 : i32
      %dma_start3A_28 = tpu.memref_slice %arg13[%mul3A_13, %dma_start3A_27] : memref<10112x64xf32, #tpu.memory_space<vmem_shared>> -> memref<632x64xf32, #tpu.memory_space<vmem_shared>>
      tpu.enqueue_dma source(%arg12 : memref<632x64xf32, #tpu.memory_space<vmem>>) target(%dma_start3A_28 : memref<632x64xf32, #tpu.memory_space<vmem_shared>>) target_semaphore(%run_scoped3A : memref<!tpu.dma_semaphore, #tpu.memory_space<semaphore_mem>>)
      %dma_wait3A = arith.constant 0 : i32
      %dma_wait3A_29 = tpu.memref_slice %arg13[%mul3A_13, %dma_wait3A] : memref<10112x64xf32, #tpu.memory_space<vmem_shared>> -> memref<632x64xf32, #tpu.memory_space<vmem_shared>>
      %dma_wait3A_30 = arith.constant 0 : i32
      %dma_wait3A_31 = tpu.memref_slice %arg13[%mul3A_13, %dma_wait3A_30] : memref<10112x64xf32, #tpu.memory_space<vmem_shared>> -> memref<632x64xf32, #tpu.memory_space<vmem_shared>>
      tpu.wait_dma2 semaphore(%run_scoped3A : memref<!tpu.dma_semaphore, #tpu.memory_space<semaphore_mem>>) src(%arg12 : memref<632x64xf32, #tpu.memory_space<vmem>>) dst(%dma_wait3A_31 : memref<632x64xf32, #tpu.memory_space<vmem_shared>>)
      tpu.yield
    }) : () -> ()
    %barrier3A = arith.constant 0 : index
    tpu.barrier barrier_id(%barrier3A)
    %scan3A_14 = arith.constant 0 : i32
    %scan3A_15 = arith.constant 0 : i32
    %scan3A_16 = arith.constant 10 : i32
    %scan3A_17 = arith.addi %scan3A_15, %scan3A_16 : i32
    %scan3A_18 = arith.constant 1 : i32
    %scan3A_19 = scf.for %scan3A_26 = %scan3A_15 to %scan3A_17 step %scan3A_18 iter_args(%scan3A_27 = %scan3A_14) -> (i32)  : i32 {
      %mul3A_28 = arith.constant 4 : i32
      %mul3A_29 = arith.muli %scan3A_26, %mul3A_28 : i32
      %add3A_30 = arith.constant 0 : i32
      %add3A_31 = arith.addi %mul3A_29, %add3A_30 : i32
      %dma_start3A = arith.constant 0 : i32
      %dma_start3A_32 = tpu.memref_slice %arg6[%add3A_31, %dma_start3A] : memref<40x128xi32, #tpu.memory_space<vmem>> -> memref<1x128xi32, #tpu.memory_space<vmem>>
      %dma_start3A_33 = tpu.memref_squeeze %dma_start3A_32 : memref<1x128xi32, #tpu.memory_space<vmem>> -> memref<128xi32, #tpu.memory_space<vmem>>
      %dma_start3A_34 = arith.constant 0 : i32
      %dma_start3A_35 = arith.constant 0 : i32
      %dma_start3A_36 = tpu.memref_slice %arg4[%dma_start3A_34, %dma_start3A_35] : memref<10000x64xf32, #tpu.memory_space<hbm>> -> memref<10000x64xf32, #tpu.memory_space<hbm>>
      tpu.enqueue_indirect_dma source(%dma_start3A_36 : memref<10000x64xf32, #tpu.memory_space<hbm>>) target(%arg8 : memref<128x64xf32, #tpu.memory_space<vmem>>) offsets(%dma_start3A_33 : memref<128xi32, #tpu.memory_space<vmem>>) semaphore(%arg14 : memref<!tpu.dma_semaphore, #tpu.memory_space<semaphore_mem>>)
      %add3A_37 = arith.constant 1 : i32
      %add3A_38 = arith.addi %mul3A_29, %add3A_37 : i32
      %dma_start3A_39 = arith.constant 0 : i32
      %dma_start3A_40 = tpu.memref_slice %arg6[%add3A_38, %dma_start3A_39] : memref<40x128xi32, #tpu.memory_space<vmem>> -> memref<1x128xi32, #tpu.memory_space<vmem>>
      %dma_start3A_41 = tpu.memref_squeeze %dma_start3A_40 : memref<1x128xi32, #tpu.memory_space<vmem>> -> memref<128xi32, #tpu.memory_space<vmem>>
      %dma_start3A_42 = arith.constant 0 : i32
      %dma_start3A_43 = arith.constant 0 : i32
      %dma_start3A_44 = tpu.memref_slice %arg4[%dma_start3A_42, %dma_start3A_43] : memref<10000x64xf32, #tpu.memory_space<hbm>> -> memref<10000x64xf32, #tpu.memory_space<hbm>>
      tpu.enqueue_indirect_dma source(%dma_start3A_44 : memref<10000x64xf32, #tpu.memory_space<hbm>>) target(%arg9 : memref<128x64xf32, #tpu.memory_space<vmem>>) offsets(%dma_start3A_41 : memref<128xi32, #tpu.memory_space<vmem>>) semaphore(%arg15 : memref<!tpu.dma_semaphore, #tpu.memory_space<semaphore_mem>>)
      %add3A_45 = arith.constant 2 : i32
      %add3A_46 = arith.addi %mul3A_29, %add3A_45 : i32
      %dma_start3A_47 = arith.constant 0 : i32
      %dma_start3A_48 = tpu.memref_slice %arg6[%add3A_46, %dma_start3A_47] : memref<40x128xi32, #tpu.memory_space<vmem>> -> memref<1x128xi32, #tpu.memory_space<vmem>>
      %dma_start3A_49 = tpu.memref_squeeze %dma_start3A_48 : memref<1x128xi32, #tpu.memory_space<vmem>> -> memref<128xi32, #tpu.memory_space<vmem>>
      %dma_start3A_50 = arith.constant 0 : i32
      %dma_start3A_51 = arith.constant 0 : i32
      %dma_start3A_52 = tpu.memref_slice %arg4[%dma_start3A_50, %dma_start3A_51] : memref<10000x64xf32, #tpu.memory_space<hbm>> -> memref<10000x64xf32, #tpu.memory_space<hbm>>
      tpu.enqueue_indirect_dma source(%dma_start3A_52 : memref<10000x64xf32, #tpu.memory_space<hbm>>) target(%arg10 : memref<128x64xf32, #tpu.memory_space<vmem>>) offsets(%dma_start3A_49 : memref<128xi32, #tpu.memory_space<vmem>>) semaphore(%arg16 : memref<!tpu.dma_semaphore, #tpu.memory_space<semaphore_mem>>)
      %add3A_53 = arith.constant 3 : i32
      %add3A_54 = arith.addi %mul3A_29, %add3A_53 : i32
      %dma_start3A_55 = arith.constant 0 : i32
      %dma_start3A_56 = tpu.memref_slice %arg6[%add3A_54, %dma_start3A_55] : memref<40x128xi32, #tpu.memory_space<vmem>> -> memref<1x128xi32, #tpu.memory_space<vmem>>
      %dma_start3A_57 = tpu.memref_squeeze %dma_start3A_56 : memref<1x128xi32, #tpu.memory_space<vmem>> -> memref<128xi32, #tpu.memory_space<vmem>>
      %dma_start3A_58 = arith.constant 0 : i32
      %dma_start3A_59 = arith.constant 0 : i32
      %dma_start3A_60 = tpu.memref_slice %arg4[%dma_start3A_58, %dma_start3A_59] : memref<10000x64xf32, #tpu.memory_space<hbm>> -> memref<10000x64xf32, #tpu.memory_space<hbm>>
      tpu.enqueue_indirect_dma source(%dma_start3A_60 : memref<10000x64xf32, #tpu.memory_space<hbm>>) target(%arg11 : memref<128x64xf32, #tpu.memory_space<vmem>>) offsets(%dma_start3A_57 : memref<128xi32, #tpu.memory_space<vmem>>) semaphore(%arg17 : memref<!tpu.dma_semaphore, #tpu.memory_space<semaphore_mem>>)
      %dma_wait3A = arith.constant 0 : i32
      %dma_wait3A_61 = tpu.memref_slice %arg6[%add3A_31, %dma_wait3A] : memref<40x128xi32, #tpu.memory_space<vmem>> -> memref<1x128xi32, #tpu.memory_space<vmem>>
      %dma_wait3A_62 = tpu.memref_squeeze %dma_wait3A_61 : memref<1x128xi32, #tpu.memory_space<vmem>> -> memref<128xi32, #tpu.memory_space<vmem>>
      %dma_wait3A_63 = arith.constant 0 : i32
      %dma_wait3A_64 = arith.constant 0 : i32
      %dma_wait3A_65 = tpu.memref_slice %arg4[%dma_wait3A_63, %dma_wait3A_64] : memref<10000x64xf32, #tpu.memory_space<hbm>> -> memref<10000x64xf32, #tpu.memory_space<hbm>>
      tpu.wait_indirect_dma semaphore(%arg14 : memref<!tpu.dma_semaphore, #tpu.memory_space<semaphore_mem>>) src(%dma_wait3A_65 : memref<10000x64xf32, #tpu.memory_space<hbm>>) dst(%arg8 : memref<128x64xf32, #tpu.memory_space<vmem>>)
      %add3A_66 = arith.constant 0 : i32
      %add3A_67 = arith.addi %mul3A_29, %add3A_66 : i32
      %dma_start3A_68 = arith.constant 0 : i32
      %dma_start3A_69 = tpu.memref_slice %arg7[%add3A_67, %dma_start3A_68] : memref<40x128xi32, #tpu.memory_space<vmem>> -> memref<1x128xi32, #tpu.memory_space<vmem>>
      %dma_start3A_70 = tpu.memref_squeeze %dma_start3A_69 : memref<1x128xi32, #tpu.memory_space<vmem>> -> memref<128xi32, #tpu.memory_space<vmem>>
      %dma_start3A_71 = arith.constant 0 : i32
      %dma_start3A_72 = arith.constant 0 : i32
      %dma_start3A_73 = tpu.memref_slice %arg13[%dma_start3A_71, %dma_start3A_72] : memref<10112x64xf32, #tpu.memory_space<vmem_shared>> -> memref<10112x64xf32, #tpu.memory_space<vmem_shared>>
      tpu.enqueue_indirect_dma source(%arg8 : memref<128x64xf32, #tpu.memory_space<vmem>>) target(%dma_start3A_73 : memref<10112x64xf32, #tpu.memory_space<vmem_shared>>) offsets(%dma_start3A_70 : memref<128xi32, #tpu.memory_space<vmem>>) semaphore(%arg18 : memref<!tpu.dma_semaphore, #tpu.memory_space<semaphore_mem>>) {add = true}
      %dma_wait3A_74 = arith.constant 0 : i32
      %dma_wait3A_75 = tpu.memref_slice %arg6[%add3A_38, %dma_wait3A_74] : memref<40x128xi32, #tpu.memory_space<vmem>> -> memref<1x128xi32, #tpu.memory_space<vmem>>
      %dma_wait3A_76 = tpu.memref_squeeze %dma_wait3A_75 : memref<1x128xi32, #tpu.memory_space<vmem>> -> memref<128xi32, #tpu.memory_space<vmem>>
      %dma_wait3A_77 = arith.constant 0 : i32
      %dma_wait3A_78 = arith.constant 0 : i32
      %dma_wait3A_79 = tpu.memref_slice %arg4[%dma_wait3A_77, %dma_wait3A_78] : memref<10000x64xf32, #tpu.memory_space<hbm>> -> memref<10000x64xf32, #tpu.memory_space<hbm>>
      tpu.wait_indirect_dma semaphore(%arg15 : memref<!tpu.dma_semaphore, #tpu.memory_space<semaphore_mem>>) src(%dma_wait3A_79 : memref<10000x64xf32, #tpu.memory_space<hbm>>) dst(%arg9 : memref<128x64xf32, #tpu.memory_space<vmem>>)
      %add3A_80 = arith.constant 1 : i32
      %add3A_81 = arith.addi %mul3A_29, %add3A_80 : i32
      %dma_start3A_82 = arith.constant 0 : i32
      %dma_start3A_83 = tpu.memref_slice %arg7[%add3A_81, %dma_start3A_82] : memref<40x128xi32, #tpu.memory_space<vmem>> -> memref<1x128xi32, #tpu.memory_space<vmem>>
      %dma_start3A_84 = tpu.memref_squeeze %dma_start3A_83 : memref<1x128xi32, #tpu.memory_space<vmem>> -> memref<128xi32, #tpu.memory_space<vmem>>
      %dma_start3A_85 = arith.constant 0 : i32
      %dma_start3A_86 = arith.constant 0 : i32
      %dma_start3A_87 = tpu.memref_slice %arg13[%dma_start3A_85, %dma_start3A_86] : memref<10112x64xf32, #tpu.memory_space<vmem_shared>> -> memref<10112x64xf32, #tpu.memory_space<vmem_shared>>
      tpu.enqueue_indirect_dma source(%arg9 : memref<128x64xf32, #tpu.memory_space<vmem>>) target(%dma_start3A_87 : memref<10112x64xf32, #tpu.memory_space<vmem_shared>>) offsets(%dma_start3A_84 : memref<128xi32, #tpu.memory_space<vmem>>) semaphore(%arg19 : memref<!tpu.dma_semaphore, #tpu.memory_space<semaphore_mem>>) {add = true}
      %dma_wait3A_88 = arith.constant 0 : i32
      %dma_wait3A_89 = tpu.memref_slice %arg6[%add3A_46, %dma_wait3A_88] : memref<40x128xi32, #tpu.memory_space<vmem>> -> memref<1x128xi32, #tpu.memory_space<vmem>>
      %dma_wait3A_90 = tpu.memref_squeeze %dma_wait3A_89 : memref<1x128xi32, #tpu.memory_space<vmem>> -> memref<128xi32, #tpu.memory_space<vmem>>
      %dma_wait3A_91 = arith.constant 0 : i32
      %dma_wait3A_92 = arith.constant 0 : i32
      %dma_wait3A_93 = tpu.memref_slice %arg4[%dma_wait3A_91, %dma_wait3A_92] : memref<10000x64xf32, #tpu.memory_space<hbm>> -> memref<10000x64xf32, #tpu.memory_space<hbm>>
      tpu.wait_indirect_dma semaphore(%arg16 : memref<!tpu.dma_semaphore, #tpu.memory_space<semaphore_mem>>) src(%dma_wait3A_93 : memref<10000x64xf32, #tpu.memory_space<hbm>>) dst(%arg10 : memref<128x64xf32, #tpu.memory_space<vmem>>)
      %add3A_94 = arith.constant 2 : i32
      %add3A_95 = arith.addi %mul3A_29, %add3A_94 : i32
      %dma_start3A_96 = arith.constant 0 : i32
      %dma_start3A_97 = tpu.memref_slice %arg7[%add3A_95, %dma_start3A_96] : memref<40x128xi32, #tpu.memory_space<vmem>> -> memref<1x128xi32, #tpu.memory_space<vmem>>
      %dma_start3A_98 = tpu.memref_squeeze %dma_start3A_97 : memref<1x128xi32, #tpu.memory_space<vmem>> -> memref<128xi32, #tpu.memory_space<vmem>>
      %dma_start3A_99 = arith.constant 0 : i32
      %dma_start3A_100 = arith.constant 0 : i32
      %dma_start3A_101 = tpu.memref_slice %arg13[%dma_start3A_99, %dma_start3A_100] : memref<10112x64xf32, #tpu.memory_space<vmem_shared>> -> memref<10112x64xf32, #tpu.memory_space<vmem_shared>>
      tpu.enqueue_indirect_dma source(%arg10 : memref<128x64xf32, #tpu.memory_space<vmem>>) target(%dma_start3A_101 : memref<10112x64xf32, #tpu.memory_space<vmem_shared>>) offsets(%dma_start3A_98 : memref<128xi32, #tpu.memory_space<vmem>>) semaphore(%arg20 : memref<!tpu.dma_semaphore, #tpu.memory_space<semaphore_mem>>) {add = true}
      %dma_wait3A_102 = arith.constant 0 : i32
      %dma_wait3A_103 = tpu.memref_slice %arg6[%add3A_54, %dma_wait3A_102] : memref<40x128xi32, #tpu.memory_space<vmem>> -> memref<1x128xi32, #tpu.memory_space<vmem>>
      %dma_wait3A_104 = tpu.memref_squeeze %dma_wait3A_103 : memref<1x128xi32, #tpu.memory_space<vmem>> -> memref<128xi32, #tpu.memory_space<vmem>>
      %dma_wait3A_105 = arith.constant 0 : i32
      %dma_wait3A_106 = arith.constant 0 : i32
      %dma_wait3A_107 = tpu.memref_slice %arg4[%dma_wait3A_105, %dma_wait3A_106] : memref<10000x64xf32, #tpu.memory_space<hbm>> -> memref<10000x64xf32, #tpu.memory_space<hbm>>
      tpu.wait_indirect_dma semaphore(%arg17 : memref<!tpu.dma_semaphore, #tpu.memory_space<semaphore_mem>>) src(%dma_wait3A_107 : memref<10000x64xf32, #tpu.memory_space<hbm>>) dst(%arg11 : memref<128x64xf32, #tpu.memory_space<vmem>>)
      %add3A_108 = arith.constant 3 : i32
      %add3A_109 = arith.addi %mul3A_29, %add3A_108 : i32
      %dma_start3A_110 = arith.constant 0 : i32
      %dma_start3A_111 = tpu.memref_slice %arg7[%add3A_109, %dma_start3A_110] : memref<40x128xi32, #tpu.memory_space<vmem>> -> memref<1x128xi32, #tpu.memory_space<vmem>>
      %dma_start3A_112 = tpu.memref_squeeze %dma_start3A_111 : memref<1x128xi32, #tpu.memory_space<vmem>> -> memref<128xi32, #tpu.memory_space<vmem>>
      %dma_start3A_113 = arith.constant 0 : i32
      %dma_start3A_114 = arith.constant 0 : i32
      %dma_start3A_115 = tpu.memref_slice %arg13[%dma_start3A_113, %dma_start3A_114] : memref<10112x64xf32, #tpu.memory_space<vmem_shared>> -> memref<10112x64xf32, #tpu.memory_space<vmem_shared>>
      tpu.enqueue_indirect_dma source(%arg11 : memref<128x64xf32, #tpu.memory_space<vmem>>) target(%dma_start3A_115 : memref<10112x64xf32, #tpu.memory_space<vmem_shared>>) offsets(%dma_start3A_112 : memref<128xi32, #tpu.memory_space<vmem>>) semaphore(%arg21 : memref<!tpu.dma_semaphore, #tpu.memory_space<semaphore_mem>>) {add = true}
      %dma_wait3A_116 = arith.constant 0 : i32
      %dma_wait3A_117 = tpu.memref_slice %arg7[%add3A_67, %dma_wait3A_116] : memref<40x128xi32, #tpu.memory_space<vmem>> -> memref<1x128xi32, #tpu.memory_space<vmem>>
      %dma_wait3A_118 = tpu.memref_squeeze %dma_wait3A_117 : memref<1x128xi32, #tpu.memory_space<vmem>> -> memref<128xi32, #tpu.memory_space<vmem>>
      %dma_wait3A_119 = arith.constant 0 : i32
      %dma_wait3A_120 = arith.constant 0 : i32
      %dma_wait3A_121 = tpu.memref_slice %arg13[%dma_wait3A_119, %dma_wait3A_120] : memref<10112x64xf32, #tpu.memory_space<vmem_shared>> -> memref<10112x64xf32, #tpu.memory_space<vmem_shared>>
      tpu.wait_indirect_dma semaphore(%arg18 : memref<!tpu.dma_semaphore, #tpu.memory_space<semaphore_mem>>) src(%arg8 : memref<128x64xf32, #tpu.memory_space<vmem>>) dst(%dma_wait3A_121 : memref<10112x64xf32, #tpu.memory_space<vmem_shared>>)
      %dma_wait3A_122 = arith.constant 0 : i32
      %dma_wait3A_123 = tpu.memref_slice %arg7[%add3A_81, %dma_wait3A_122] : memref<40x128xi32, #tpu.memory_space<vmem>> -> memref<1x128xi32, #tpu.memory_space<vmem>>
      %dma_wait3A_124 = tpu.memref_squeeze %dma_wait3A_123 : memref<1x128xi32, #tpu.memory_space<vmem>> -> memref<128xi32, #tpu.memory_space<vmem>>
      %dma_wait3A_125 = arith.constant 0 : i32
      %dma_wait3A_126 = arith.constant 0 : i32
      %dma_wait3A_127 = tpu.memref_slice %arg13[%dma_wait3A_125, %dma_wait3A_126] : memref<10112x64xf32, #tpu.memory_space<vmem_shared>> -> memref<10112x64xf32, #tpu.memory_space<vmem_shared>>
      tpu.wait_indirect_dma semaphore(%arg19 : memref<!tpu.dma_semaphore, #tpu.memory_space<semaphore_mem>>) src(%arg9 : memref<128x64xf32, #tpu.memory_space<vmem>>) dst(%dma_wait3A_127 : memref<10112x64xf32, #tpu.memory_space<vmem_shared>>)
      %dma_wait3A_128 = arith.constant 0 : i32
      %dma_wait3A_129 = tpu.memref_slice %arg7[%add3A_95, %dma_wait3A_128] : memref<40x128xi32, #tpu.memory_space<vmem>> -> memref<1x128xi32, #tpu.memory_space<vmem>>
      %dma_wait3A_130 = tpu.memref_squeeze %dma_wait3A_129 : memref<1x128xi32, #tpu.memory_space<vmem>> -> memref<128xi32, #tpu.memory_space<vmem>>
      %dma_wait3A_131 = arith.constant 0 : i32
      %dma_wait3A_132 = arith.constant 0 : i32
      %dma_wait3A_133 = tpu.memref_slice %arg13[%dma_wait3A_131, %dma_wait3A_132] : memref<10112x64xf32, #tpu.memory_space<vmem_shared>> -> memref<10112x64xf32, #tpu.memory_space<vmem_shared>>
      tpu.wait_indirect_dma semaphore(%arg20 : memref<!tpu.dma_semaphore, #tpu.memory_space<semaphore_mem>>) src(%arg10 : memref<128x64xf32, #tpu.memory_space<vmem>>) dst(%dma_wait3A_133 : memref<10112x64xf32, #tpu.memory_space<vmem_shared>>)
      %dma_wait3A_134 = arith.constant 0 : i32
      %dma_wait3A_135 = tpu.memref_slice %arg7[%add3A_109, %dma_wait3A_134] : memref<40x128xi32, #tpu.memory_space<vmem>> -> memref<1x128xi32, #tpu.memory_space<vmem>>
      %dma_wait3A_136 = tpu.memref_squeeze %dma_wait3A_135 : memref<1x128xi32, #tpu.memory_space<vmem>> -> memref<128xi32, #tpu.memory_space<vmem>>
      %dma_wait3A_137 = arith.constant 0 : i32
      %dma_wait3A_138 = arith.constant 0 : i32
      %dma_wait3A_139 = tpu.memref_slice %arg13[%dma_wait3A_137, %dma_wait3A_138] : memref<10112x64xf32, #tpu.memory_space<vmem_shared>> -> memref<10112x64xf32, #tpu.memory_space<vmem_shared>>
      tpu.wait_indirect_dma semaphore(%arg21 : memref<!tpu.dma_semaphore, #tpu.memory_space<semaphore_mem>>) src(%arg11 : memref<128x64xf32, #tpu.memory_space<vmem>>) dst(%dma_wait3A_139 : memref<10112x64xf32, #tpu.memory_space<vmem_shared>>)
      %scan3A_140 = arith.constant 0 : i32
      scf.yield %scan3A_140 : i32
    }
    %scan3A_20 = arith.constant 10 : i32
    %barrier3A_21 = arith.constant 0 : index
    tpu.barrier barrier_id(%barrier3A_21)
    %mul3A_22 = arith.constant 632 : i32
    %mul3A_23 = arith.muli %arg1, %mul3A_22 : i32
    "tpu.region"() ({
      %run_scoped3A = tpu.sem_alloc : memref<!tpu.dma_semaphore, #tpu.memory_space<semaphore_mem>>
      %dma_start3A = arith.constant 0 : i32
      %dma_start3A_26 = tpu.memref_slice %arg13[%mul3A_23, %dma_start3A] : memref<10112x64xf32, #tpu.memory_space<vmem_shared>> -> memref<632x64xf32, #tpu.memory_space<vmem_shared>>
      %dma_start3A_27 = arith.constant 0 : i32
      %dma_start3A_28 = tpu.memref_slice %arg13[%mul3A_23, %dma_start3A_27] : memref<10112x64xf32, #tpu.memory_space<vmem_shared>> -> memref<632x64xf32, #tpu.memory_space<vmem_shared>>
      tpu.enqueue_dma source(%dma_start3A_28 : memref<632x64xf32, #tpu.memory_space<vmem_shared>>) target(%arg12 : memref<632x64xf32, #tpu.memory_space<vmem>>) target_semaphore(%run_scoped3A : memref<!tpu.dma_semaphore, #tpu.memory_space<semaphore_mem>>)
      %dma_wait3A = arith.constant 0 : i32
      %dma_wait3A_29 = tpu.memref_slice %arg13[%mul3A_23, %dma_wait3A] : memref<10112x64xf32, #tpu.memory_space<vmem_shared>> -> memref<632x64xf32, #tpu.memory_space<vmem_shared>>
      %dma_wait3A_30 = arith.constant 0 : i32
      %dma_wait3A_31 = tpu.memref_slice %arg13[%mul3A_23, %dma_wait3A_30] : memref<10112x64xf32, #tpu.memory_space<vmem_shared>> -> memref<632x64xf32, #tpu.memory_space<vmem_shared>>
      tpu.wait_dma2 semaphore(%run_scoped3A : memref<!tpu.dma_semaphore, #tpu.memory_space<semaphore_mem>>) src(%dma_wait3A_31 : memref<632x64xf32, #tpu.memory_space<vmem_shared>>) dst(%arg12 : memref<632x64xf32, #tpu.memory_space<vmem>>)
      tpu.yield
    }) : () -> ()
    %mul3A_24 = arith.constant 632 : i32
    %mul3A_25 = arith.muli %arg1, %mul3A_24 : i32
    "tpu.region"() ({
      %run_scoped3A = tpu.sem_alloc : memref<!tpu.dma_semaphore, #tpu.memory_space<semaphore_mem>>
      %dma_start3A = arith.constant 0 : i32
      %dma_start3A_26 = tpu.memref_slice %arg5[%arg0, %mul3A_25, %dma_start3A] : memref<2x10112x64xf32, #tpu.memory_space<hbm>> -> memref<1x632x64xf32, #tpu.memory_space<hbm>>
      %dma_start3A_27 = tpu.memref_squeeze %dma_start3A_26 : memref<1x632x64xf32, #tpu.memory_space<hbm>> -> memref<632x64xf32, #tpu.memory_space<hbm>>
      %dma_start3A_28 = arith.constant 0 : i32
      %dma_start3A_29 = tpu.memref_slice %arg5[%arg0, %mul3A_25, %dma_start3A_28] : memref<2x10112x64xf32, #tpu.memory_space<hbm>> -> memref<1x632x64xf32, #tpu.memory_space<hbm>>
      %dma_start3A_30 = tpu.memref_squeeze %dma_start3A_29 : memref<1x632x64xf32, #tpu.memory_space<hbm>> -> memref<632x64xf32, #tpu.memory_space<hbm>>
      tpu.enqueue_dma source(%arg12 : memref<632x64xf32, #tpu.memory_space<vmem>>) target(%dma_start3A_30 : memref<632x64xf32, #tpu.memory_space<hbm>>) target_semaphore(%run_scoped3A : memref<!tpu.dma_semaphore, #tpu.memory_space<semaphore_mem>>)
      %dma_wait3A = arith.constant 0 : i32
      %dma_wait3A_31 = tpu.memref_slice %arg5[%arg0, %mul3A_25, %dma_wait3A] : memref<2x10112x64xf32, #tpu.memory_space<hbm>> -> memref<1x632x64xf32, #tpu.memory_space<hbm>>
      %dma_wait3A_32 = tpu.memref_squeeze %dma_wait3A_31 : memref<1x632x64xf32, #tpu.memory_space<hbm>> -> memref<632x64xf32, #tpu.memory_space<hbm>>
      %dma_wait3A_33 = arith.constant 0 : i32
      %dma_wait3A_34 = tpu.memref_slice %arg5[%arg0, %mul3A_25, %dma_wait3A_33] : memref<2x10112x64xf32, #tpu.memory_space<hbm>> -> memref<1x632x64xf32, #tpu.memory_space<hbm>>
      %dma_wait3A_35 = tpu.memref_squeeze %dma_wait3A_34 : memref<1x632x64xf32, #tpu.memory_space<hbm>> -> memref<632x64xf32, #tpu.memory_space<hbm>>
      tpu.wait_dma2 semaphore(%run_scoped3A : memref<!tpu.dma_semaphore, #tpu.memory_space<semaphore_mem>>) src(%arg12 : memref<632x64xf32, #tpu.memory_space<vmem>>) dst(%dma_wait3A_35 : memref<632x64xf32, #tpu.memory_space<hbm>>)
      tpu.yield
    }) : () -> ()
    return
  }
}

module attributes {stable_mosaic.version = 14 : i64} {
  func.func @_l1_body(%arg0: i32, %arg1: memref<2000x256xf32, #tpu.memory_space<vmem>>, %arg2: memref<256x64xf32, #tpu.memory_space<vmem>>, %arg3: memref<2x2000x16xf32, #tpu.memory_space<vmem>>, %arg4: memref<2000x64xf32, #tpu.memory_space<vmem>>, %arg5: memref<2000x16xf32, #tpu.memory_space<vmem>>) attributes {dimension_semantics = [#tpu.dimension_semantics<arbitrary>], iteration_bounds = array<i64: 5>, scalar_prefetch = 0 : i64, scratch_operands = 0 : i64, tpu.core_type = #tpu.core_type<tc>, window_params = [{transform_indices = @transform_0, window_bounds = array<i64: 2000, 256>}, {pipeline_mode = #tpu.pipeline_mode<synchronous>, transform_indices = @transform_1, window_bounds = array<i64: 256, 64>}, {transform_indices = @transform_2, window_bounds = array<i64: 2, 2000, 16>}, {transform_indices = @transform_3, window_bounds = array<i64: 2000, 64>}, {transform_indices = @transform_4, window_bounds = array<i64: 2000, 16>}]} {
    %get3A = arith.constant 0 : index
    %get3A_0 = arith.constant 0 : index
    %get3A_1 = vector.load %arg1[%get3A, %get3A_0] : memref<2000x256xf32, #tpu.memory_space<vmem>>, vector<2000x256xf32>
    %get3A_2 = arith.constant 0 : index
    %get3A_3 = arith.constant 0 : index
    %get3A_4 = vector.load %arg2[%get3A_2, %get3A_3] : memref<256x64xf32, #tpu.memory_space<vmem>>, vector<256x64xf32>
    %dot_general3A = arith.constant dense<0.000000e+00> : vector<2000x64xf32>
    %dot_general3A_5 = tpu.matmul %get3A_1, %get3A_4, %dot_general3A {dimension_numbers = #tpu.dot_dimension_numbers<[1], [0], [0], [1], [0, 0, 1, 1], [], []>, transpose_lhs_hint = false} : vector<2000x256xf32>, vector<256x64xf32>, vector<2000x64xf32> -> vector<2000x64xf32>
    %get3A_6 = arith.constant 0 : index
    %get3A_7 = arith.constant 0 : index
    %get3A_8 = arith.constant 0 : index
    %get3A_9 = vector.load %arg3[%get3A_6, %get3A_7, %get3A_8] : memref<2x2000x16xf32, #tpu.memory_space<vmem>>, vector<1x2000x16xf32>
    %get3A_10 = vector.shape_cast %get3A_9 : vector<1x2000x16xf32> to vector<2000x16xf32>
    %get3A_11 = arith.constant 1 : index
    %get3A_12 = arith.constant 0 : index
    %get3A_13 = arith.constant 0 : index
    %get3A_14 = vector.load %arg3[%get3A_11, %get3A_12, %get3A_13] : memref<2x2000x16xf32, #tpu.memory_space<vmem>>, vector<1x2000x16xf32>
    %get3A_15 = vector.shape_cast %get3A_14 : vector<1x2000x16xf32> to vector<2000x16xf32>
    %add3A = arith.addf %get3A_10, %get3A_15 : vector<2000x16xf32>
    %add3A_16 = arith.constant 1.000000e+00 : f32
    %add3A_17 = vector.broadcast %add3A_16 : f32 to vector<2000x16xf32>
    %add3A_18 = arith.addf %add3A, %add3A_17 : vector<2000x16xf32>
    %rsqrt3A = math.rsqrt %add3A_18 : vector<2000x16xf32>
    %swap3A = arith.constant 0 : index
    %swap3A_19 = arith.constant 0 : index
    %swap3A_20 = vector.load %arg5[%swap3A, %swap3A_19] : memref<2000x16xf32, #tpu.memory_space<vmem>>, vector<2000x16xf32>
    tpu.vector_store %arg5[%swap3A, %swap3A_19], %rsqrt3A {strides = array<i32>} : memref<2000x16xf32, #tpu.memory_space<vmem>>, vector<2000x16xf32>,
    %slice3A = vector.extract_strided_slice %rsqrt3A {offsets = [0, 0], sizes = [2000, 1], strides = [1, 1]} : vector<2000x16xf32> to vector<2000x1xf32>
    %mul3A = vector.broadcast %slice3A : vector<2000x1xf32> to vector<2000x64xf32>
    %mul3A_21 = arith.mulf %dot_general3A_5, %mul3A : vector<2000x64xf32>
    %swap3A_22 = arith.constant 0 : index
    %swap3A_23 = arith.constant 0 : index
    %swap3A_24 = vector.load %arg4[%swap3A_22, %swap3A_23] : memref<2000x64xf32, #tpu.memory_space<vmem>>, vector<2000x64xf32>
    tpu.vector_store %arg4[%swap3A_22, %swap3A_23], %mul3A_21 {strides = array<i32>} : memref<2000x64xf32, #tpu.memory_space<vmem>>, vector<2000x64xf32>,
    return
  }
  func.func @transform_0(%arg0: i32) -> (i32, i32) {
    %c0_i32 = arith.constant 0 : i32
    %c0_i32_0 = arith.constant 0 : i32
    return %arg0, %c0_i32 : i32, i32
  }
  func.func @transform_1(%arg0: i32) -> (i32, i32) {
    %c0_i32 = arith.constant 0 : i32
    %c0_i32_0 = arith.constant 0 : i32
    %c0_i32_1 = arith.constant 0 : i32
    return %c0_i32, %c0_i32_0 : i32, i32
  }
  func.func @transform_2(%arg0: i32) -> (i32, i32, i32) {
    %c0_i32 = arith.constant 0 : i32
    %c0_i32_0 = arith.constant 0 : i32
    %c0_i32_1 = arith.constant 0 : i32
    return %c0_i32, %arg0, %c0_i32_0 : i32, i32, i32
  }
  func.func @transform_3(%arg0: i32) -> (i32, i32) {
    %c0_i32 = arith.constant 0 : i32
    %c0_i32_0 = arith.constant 0 : i32
    return %arg0, %c0_i32 : i32, i32
  }
  func.func @transform_4(%arg0: i32) -> (i32, i32) {
    %c0_i32 = arith.constant 0 : i32
    %c0_i32_0 = arith.constant 0 : i32
    return %arg0, %c0_i32 : i32, i32
  }
}

module attributes {stable_mosaic.version = 14 : i64} {
  func.func @_mid_body(%arg0: i32, %arg1: memref<2x2000x64xf32, #tpu.memory_space<vmem>>, %arg2: memref<2000x64xf32, #tpu.memory_space<vmem>>, %arg3: memref<2000x16xf32, #tpu.memory_space<vmem>>, %arg4: memref<1x64xf32, #tpu.memory_space<vmem>>, %arg5: memref<2000x64xf32, #tpu.memory_space<vmem>>) attributes {dimension_semantics = [#tpu.dimension_semantics<arbitrary>], iteration_bounds = array<i64: 5>, scalar_prefetch = 0 : i64, scratch_operands = 0 : i64, tpu.core_type = #tpu.core_type<tc>, window_params = [{transform_indices = @transform_0, window_bounds = array<i64: 2, 2000, 64>}, {transform_indices = @transform_1, window_bounds = array<i64: 2000, 64>}, {transform_indices = @transform_2, window_bounds = array<i64: 2000, 16>}, {pipeline_mode = #tpu.pipeline_mode<synchronous>, transform_indices = @transform_3, window_bounds = array<i64: 1, 64>}, {transform_indices = @transform_4, window_bounds = array<i64: 2000, 64>}]} {
    %get3A = arith.constant 0 : index
    %get3A_0 = arith.constant 0 : index
    %get3A_1 = vector.load %arg3[%get3A, %get3A_0] : memref<2000x16xf32, #tpu.memory_space<vmem>>, vector<2000x1xf32>
    %get3A_2 = arith.constant 0 : index
    %get3A_3 = arith.constant 0 : index
    %get3A_4 = arith.constant 0 : index
    %get3A_5 = vector.load %arg1[%get3A_2, %get3A_3, %get3A_4] : memref<2x2000x64xf32, #tpu.memory_space<vmem>>, vector<1x2000x64xf32>
    %get3A_6 = vector.shape_cast %get3A_5 : vector<1x2000x64xf32> to vector<2000x64xf32>
    %get3A_7 = arith.constant 1 : index
    %get3A_8 = arith.constant 0 : index
    %get3A_9 = arith.constant 0 : index
    %get3A_10 = vector.load %arg1[%get3A_7, %get3A_8, %get3A_9] : memref<2x2000x64xf32, #tpu.memory_space<vmem>>, vector<1x2000x64xf32>
    %get3A_11 = vector.shape_cast %get3A_10 : vector<1x2000x64xf32> to vector<2000x64xf32>
    %add3A = arith.addf %get3A_6, %get3A_11 : vector<2000x64xf32>
    %get3A_12 = arith.constant 0 : index
    %get3A_13 = arith.constant 0 : index
    %get3A_14 = vector.load %arg2[%get3A_12, %get3A_13] : memref<2000x64xf32, #tpu.memory_space<vmem>>, vector<2000x64xf32>
    %add3A_15 = arith.addf %add3A, %get3A_14 : vector<2000x64xf32>
    %mul3A = vector.broadcast %get3A_1 : vector<2000x1xf32> to vector<2000x64xf32>
    %mul3A_16 = arith.mulf %mul3A, %add3A_15 : vector<2000x64xf32>
    %get3A_17 = arith.constant 0 : index
    %get3A_18 = arith.constant 0 : index
    %get3A_19 = vector.load %arg4[%get3A_17, %get3A_18] : memref<1x64xf32, #tpu.memory_space<vmem>>, vector<1x64xf32>
    %add3A_20 = vector.broadcast %get3A_19 : vector<1x64xf32> to vector<2000x64xf32>
    %add3A_21 = arith.addf %mul3A_16, %add3A_20 : vector<2000x64xf32>
    %max3A = arith.constant 0.000000e+00 : f32
    %max3A_22 = vector.broadcast %max3A : f32 to vector<2000x64xf32>
    %max3A_23 = arith.maximumf %add3A_21, %max3A_22 : vector<2000x64xf32>
    %mul3A_24 = vector.broadcast %get3A_1 : vector<2000x1xf32> to vector<2000x64xf32>
    %mul3A_25 = arith.mulf %mul3A_24, %max3A_23 : vector<2000x64xf32>
    %swap3A = arith.constant 0 : index
    %swap3A_26 = arith.constant 0 : index
    %swap3A_27 = vector.load %arg5[%swap3A, %swap3A_26] : memref<2000x64xf32, #tpu.memory_space<vmem>>, vector<2000x64xf32>
    tpu.vector_store %arg5[%swap3A, %swap3A_26], %mul3A_25 {strides = array<i32>} : memref<2000x64xf32, #tpu.memory_space<vmem>>, vector<2000x64xf32>,
    return
  }
  func.func @transform_0(%arg0: i32) -> (i32, i32, i32) {
    %c0_i32 = arith.constant 0 : i32
    %c0_i32_0 = arith.constant 0 : i32
    %c0_i32_1 = arith.constant 0 : i32
    return %c0_i32, %arg0, %c0_i32_0 : i32, i32, i32
  }
  func.func @transform_1(%arg0: i32) -> (i32, i32) {
    %c0_i32 = arith.constant 0 : i32
    %c0_i32_0 = arith.constant 0 : i32
    return %arg0, %c0_i32 : i32, i32
  }
  func.func @transform_2(%arg0: i32) -> (i32, i32) {
    %c0_i32 = arith.constant 0 : i32
    %c0_i32_0 = arith.constant 0 : i32
    return %arg0, %c0_i32 : i32, i32
  }
  func.func @transform_3(%arg0: i32) -> (i32, i32) {
    %c0_i32 = arith.constant 0 : i32
    %c0_i32_0 = arith.constant 0 : i32
    %c0_i32_1 = arith.constant 0 : i32
    return %c0_i32, %c0_i32_0 : i32, i32
  }
  func.func @transform_4(%arg0: i32) -> (i32, i32) {
    %c0_i32 = arith.constant 0 : i32
    %c0_i32_0 = arith.constant 0 : i32
    return %arg0, %c0_i32 : i32, i32
  }
}

module attributes {stable_mosaic.version = 14 : i64} {
  func.func @_out_body(%arg0: i32, %arg1: memref<2x2000x64xf32, #tpu.memory_space<vmem>>, %arg2: memref<2000x64xf32, #tpu.memory_space<vmem>>, %arg3: memref<2000x16xf32, #tpu.memory_space<vmem>>, %arg4: memref<64x256xf32, #tpu.memory_space<vmem>>, %arg5: memref<1x256xf32, #tpu.memory_space<vmem>>, %arg6: memref<2000x256xf32, #tpu.memory_space<vmem>>) attributes {dimension_semantics = [#tpu.dimension_semantics<arbitrary>], iteration_bounds = array<i64: 5>, scalar_prefetch = 0 : i64, scratch_operands = 0 : i64, tpu.core_type = #tpu.core_type<tc>, window_params = [{transform_indices = @transform_0, window_bounds = array<i64: 2, 2000, 64>}, {transform_indices = @transform_1, window_bounds = array<i64: 2000, 64>}, {transform_indices = @transform_2, window_bounds = array<i64: 2000, 16>}, {pipeline_mode = #tpu.pipeline_mode<synchronous>, transform_indices = @transform_3, window_bounds = array<i64: 64, 256>}, {pipeline_mode = #tpu.pipeline_mode<synchronous>, transform_indices = @transform_4, window_bounds = array<i64: 1, 256>}, {transform_indices = @transform_5, window_bounds = array<i64: 2000, 256>}]} {
    %get3A = arith.constant 0 : index
    %get3A_0 = arith.constant 0 : index
    %get3A_1 = vector.load %arg3[%get3A, %get3A_0] : memref<2000x16xf32, #tpu.memory_space<vmem>>, vector<2000x1xf32>
    %get3A_2 = arith.constant 0 : index
    %get3A_3 = arith.constant 0 : index
    %get3A_4 = arith.constant 0 : index
    %get3A_5 = vector.load %arg1[%get3A_2, %get3A_3, %get3A_4] : memref<2x2000x64xf32, #tpu.memory_space<vmem>>, vector<1x2000x64xf32>
    %get3A_6 = vector.shape_cast %get3A_5 : vector<1x2000x64xf32> to vector<2000x64xf32>
    %get3A_7 = arith.constant 1 : index
    %get3A_8 = arith.constant 0 : index
    %get3A_9 = arith.constant 0 : index
    %get3A_10 = vector.load %arg1[%get3A_7, %get3A_8, %get3A_9] : memref<2x2000x64xf32, #tpu.memory_space<vmem>>, vector<1x2000x64xf32>
    %get3A_11 = vector.shape_cast %get3A_10 : vector<1x2000x64xf32> to vector<2000x64xf32>
    %add3A = arith.addf %get3A_6, %get3A_11 : vector<2000x64xf32>
    %get3A_12 = arith.constant 0 : index
    %get3A_13 = arith.constant 0 : index
    %get3A_14 = vector.load %arg2[%get3A_12, %get3A_13] : memref<2000x64xf32, #tpu.memory_space<vmem>>, vector<2000x64xf32>
    %add3A_15 = arith.addf %add3A, %get3A_14 : vector<2000x64xf32>
    %mul3A = vector.broadcast %get3A_1 : vector<2000x1xf32> to vector<2000x64xf32>
    %mul3A_16 = arith.mulf %mul3A, %add3A_15 : vector<2000x64xf32>
    %get3A_17 = arith.constant 0 : index
    %get3A_18 = arith.constant 0 : index
    %get3A_19 = vector.load %arg4[%get3A_17, %get3A_18] : memref<64x256xf32, #tpu.memory_space<vmem>>, vector<64x256xf32>
    %dot_general3A = arith.constant dense<0.000000e+00> : vector<2000x256xf32>
    %dot_general3A_20 = tpu.matmul %mul3A_16, %get3A_19, %dot_general3A {dimension_numbers = #tpu.dot_dimension_numbers<[1], [0], [0], [1], [0, 0, 1, 1], [], []>, transpose_lhs_hint = false} : vector<2000x64xf32>, vector<64x256xf32>, vector<2000x256xf32> -> vector<2000x256xf32>
    %get3A_21 = arith.constant 0 : index
    %get3A_22 = arith.constant 0 : index
    %get3A_23 = vector.load %arg5[%get3A_21, %get3A_22] : memref<1x256xf32, #tpu.memory_space<vmem>>, vector<1x256xf32>
    %add3A_24 = vector.broadcast %get3A_23 : vector<1x256xf32> to vector<2000x256xf32>
    %add3A_25 = arith.addf %dot_general3A_20, %add3A_24 : vector<2000x256xf32>
    %swap3A = arith.constant 0 : index
    %swap3A_26 = arith.constant 0 : index
    %swap3A_27 = vector.load %arg6[%swap3A, %swap3A_26] : memref<2000x256xf32, #tpu.memory_space<vmem>>, vector<2000x256xf32>
    tpu.vector_store %arg6[%swap3A, %swap3A_26], %add3A_25 {strides = array<i32>} : memref<2000x256xf32, #tpu.memory_space<vmem>>, vector<2000x256xf32>,
    return
  }
  func.func @transform_0(%arg0: i32) -> (i32, i32, i32) {
    %c0_i32 = arith.constant 0 : i32
    %c0_i32_0 = arith.constant 0 : i32
    %c0_i32_1 = arith.constant 0 : i32
    return %c0_i32, %arg0, %c0_i32_0 : i32, i32, i32
  }
  func.func @transform_1(%arg0: i32) -> (i32, i32) {
    %c0_i32 = arith.constant 0 : i32
    %c0_i32_0 = arith.constant 0 : i32
    return %arg0, %c0_i32 : i32, i32
  }
  func.func @transform_2(%arg0: i32) -> (i32, i32) {
    %c0_i32 = arith.constant 0 : i32
    %c0_i32_0 = arith.constant 0 : i32
    return %arg0, %c0_i32 : i32, i32
  }
  func.func @transform_3(%arg0: i32) -> (i32, i32) {
    %c0_i32 = arith.constant 0 : i32
    %c0_i32_0 = arith.constant 0 : i32
    %c0_i32_1 = arith.constant 0 : i32
    return %c0_i32, %c0_i32_0 : i32, i32
  }
  func.func @transform_4(%arg0: i32) -> (i32, i32) {
    %c0_i32 = arith.constant 0 : i32
    %c0_i32_0 = arith.constant 0 : i32
    %c0_i32_1 = arith.constant 0 : i32
    return %c0_i32, %c0_i32_0 : i32, i32
  }
  func.func @transform_5(%arg0: i32) -> (i32, i32) {
    %c0_i32 = arith.constant 0 : i32
    %c0_i32_0 = arith.constant 0 : i32
    return %arg0, %c0_i32 : i32, i32
  }
}

</mosaic_0001>

<sc_bundles>
// kernel: kernel.11.cloned.1.call-start
scs
__scs_entry_jumppad:
0x0: {  	(pc) =	sbr.rel $0x88, $3  }
0x1: {  	(tag) =	ssettag $0x0;
	lr =	simm.s32 $0x1  }
0x2: {  	[smem:$0x3F9B] =	sst lr;
	_ =	strace $0xD0000000  }
0x3: {  	_ = 	snop  }
0x4: {  	_ = 	snop  }
0x5: {  	_ = 	snop  }
0x6: {  	_ = 	snop  }
0x7: {  	_ = 	snop  }
__scs_overlays_trampoline_lowered:
0x8: {  	[smem:$0x3FAA] =	sst s0  }
0x9: {  	[smem:$0x3FAB] =	sst s1  }
0xa: {  	[smem:$0x3FAC] =	sst s2  }
0xb: {  	[smem:$0x3FAD] =	sst s3  }
0xc: {  	[smem:$0x3FAE] =	sst s4  }
0xd: {  	[smem:$0x3FAF] =	sst s5  }
0xe: {  	[smem:$0x3FB0] =	sst s6  }
0xf: {  	[smem:$0x3FB1] =	sst s7  }
0x10: {  	[smem:$0x3FB2] =	sst s8  }
0x11: {  	[smem:$0x3FB3] =	sst s9;
	s0 =	simm.s32 @!p0 $0x0  }
0x12: {  	s1 =	sld [smem:$0x3F99];
	s0 =	simm.s32 @p0 $0x1  }
0x13: {  	[smem:$0x3FB4] =	sst s0;
	s0 =	simm.s32 @!p1 $0x0  }
0x14: {  	s2 =	sld [smem:$0x3F98];
	s0 =	simm.s32 @p1 $0x1  }
0x15: {  	[smem:$0x3FB5] =	sst s0;
	s0 =	simm.s32 @!p2 $0x0  }
0x16: {  	s3 =	sld [smem:$0x3FDB];
	s0 =	simm.s32 @p2 $0x1  }
0x17: {  	s4 =	simm.s32 $0x1BF5;
	[smem:$0x3FB7] =	sst s0  }
0x18: {  	s0 =	sld [smem:$0x3F9A];
	_ =	swait.ge [sflag:s4], $0x0  }
0x19: {  	s7 =	sld [smem:$0x3F9B]  }
0x1a: {  	s8 =	sadd.s32 $0xFFFFE003, lr  }
0x1b: {  	s9 =	sadd.s32 $0xFFFFFEF7, lr;
	s5 =	simm.s32 $0xFFFFFFFF;
	p2 =	slt.u32 s8, $0xFFFFF086  }
0x1c: {  	p1 =	slt.u32 s9, $0xF7A;
	s5 =	simm.s32 @!p2 $0x0  }
0x1d: {  	s5 =	simm.s32 @p1 $0x1;
	p0 =	seq.s32 s7, s2  }
0x1e: {  	s7 =	smul.u32 @!p0 $0xF7A, s2;
	p2 =	seq.s32 @!p0 s5, $0x0  }
0x1f: {  	s9 =	smul.u32 $0xF7A, s1;
	s8 =	simm.s32 @!p0 $0x1BF5;
	p2 =	por !p2, p0  }
0x20: {  	[sflag:s8] =	ssyncset.s32 @!p0 $0xFFFFF086;
	s6 =	sadd.s32 @!p0 s3, s7;
	s7 =	simm.s32 @!p0 $0x108  }
0x21: {  	s3 =	sadd.s32 s3, s9;
	s6 =	sadd.s32 @!p0 $0x88, s6;
	s7 =	simm.s32 @p2 $0x1082  }
0x22: {  	[simem:s7], [sflag:s8] =	dma.local @!p0 [hbm:s6], $0xF7A  }
0x23: {  	s9 =	sor.u32 $0xD0000000, s2;
	s6 =	simm.s32 $0x108;
	_ =	swait.ge @!p0 [sflag:s8], $0x0  }
0x24: {  	s3 =	sadd.s32 $0x88, s3;
	s6 =	simm.s32 @!p1 $0x1082;
	[sflag:s4] =	ssyncset.s32 $0xFFFFF086  }
0x25: {  	[simem:s6], [sflag:s4] =	dma.local [hbm:s3], $0xF7A  }
0x26: {  	[smem:$0x3F9B] =	sst s1;
	(tag) =	ssettag s2;
	_ =	strace s9  }
0x27: {  	s1 =	sld [smem:$0x3FAB]  }
0x28: {  	s2 =	sld [smem:$0x3FAC]  }
0x29: {  	s4 =	sld [smem:$0x3FAE]  }
0x2a: {  	p0 =	seq.s32 s5, $0x0;
	s5 =	sld [smem:$0x3FAF]  }
0x2b: {  	s6 =	sld [smem:$0x3FB0]  }
0x2c: {  	s7 =	sld [smem:$0x3FB1]  }
0x2d: {  	s3 =	simm.s32 $0x108;
	s8 =	sld [smem:$0x3FB2]  }
0x2e: {  	s3 =	simm.s32 @!p0 $0x1082;
	s9 =	sld [smem:$0x3FB3]  }
0x2f: {  	lr =	sadd.s32 s0, s3;
	s0 =	sld [smem:$0x3FAA]  }
0x30: {  	s3 =	sld [smem:$0x3FAD]  }
0x31: {  	[smem:$0x3FB6] =	sst s10  }
0x32: {  	s10 =	sld [smem:$0x3FB4];
	_ =	sdelay $0x3  }
0x33: {  	p0 =	seq.s32 s10, $0x1;
	s10 =	sld [smem:$0x3FB6];
	_ =	sdelay $0x3  }
0x34: {  	[smem:$0x3FB6] =	sst s10  }
0x35: {  	s10 =	sld [smem:$0x3FB5];
	_ =	sdelay $0x3  }
0x36: {  	p1 =	seq.s32 s10, $0x1;
	s10 =	sld [smem:$0x3FB6];
	_ =	sdelay $0x3  }
0x37: {  	[smem:$0x3FB6] =	sst s10  }
0x38: {  	s10 =	sld [smem:$0x3FB7]  }
0x39: {  	_ = 	snop;
	(pc) =	sbr.ind lr, $3  }
0x3a: {  	_ = 	snop  }
0x3b: {  	_ = 	snop  }
0x3c: {  	p2 =	seq.s32 s10, $0x1;
	s10 =	sld [smem:$0x3FB6]  }
0x3d: {  	_ =	shalt  }
0x3e: {  	_ =	shalt  }
0x3f: {  	_ =	shalt  }
0x40: {  	_ =	shalt  }
0x41: {  	_ =	shalt  }
0x42: {  	_ =	shalt  }
0x43: {  	_ =	shalt  }
0x44: {  	_ =	shalt  }
0x45: {  	_ =	shalt  }
0x46: {  	_ =	shalt  }
0x47: {  	_ =	shalt  }
0x48: {  	_ =	shalt  }
0x49: {  	_ =	shalt  }
0x4a: {  	_ =	shalt  }
0x4b: {  	_ =	shalt  }
0x4c: {  	_ =	shalt  }
0x4d: {  	_ =	shalt  }
0x4e: {  	_ =	shalt  }
0x4f: {  	_ =	shalt  }
0x50: {  	_ =	shalt  }
0x51: {  	_ =	shalt  }
0x52: {  	_ =	shalt  }
0x53: {  	_ =	shalt  }
0x54: {  	_ =	shalt  }
0x55: {  	_ =	shalt  }
0x56: {  	_ =	shalt  }
0x57: {  	_ =	shalt  }
0x58: {  	_ =	shalt  }
0x59: {  	_ =	shalt  }
0x5a: {  	_ =	shalt  }
0x5b: {  	_ =	shalt  }
0x5c: {  	_ =	shalt  }
0x5d: {  	_ =	shalt  }
0x5e: {  	_ =	shalt  }
0x5f: {  	_ =	shalt  }
0x60: {  	_ =	shalt  }
0x61: {  	_ =	shalt  }
0x62: {  	_ =	shalt  }
0x63: {  	_ =	shalt  }
0x64: {  	_ =	shalt  }
0x65: {  	_ =	shalt  }
0x66: {  	_ =	shalt  }
0x67: {  	_ =	shalt  }
0x68: {  	_ =	shalt  }
0x69: {  	_ =	shalt  }
0x6a: {  	_ =	shalt  }
0x6b: {  	_ =	shalt  }
0x6c: {  	_ =	shalt  }
0x6d: {  	_ =	shalt  }
0x6e: {  	_ =	shalt  }
0x6f: {  	_ =	shalt  }
0x70: {  	_ =	shalt  }
0x71: {  	_ =	shalt  }
0x72: {  	_ =	shalt  }
0x73: {  	_ =	shalt  }
0x74: {  	_ =	shalt  }
0x75: {  	_ =	shalt  }
0x76: {  	_ =	shalt  }
0x77: {  	_ =	shalt  }
0x78: {  	_ =	shalt  }
0x79: {  	_ =	shalt  }
0x7a: {  	_ =	shalt  }
0x7b: {  	_ =	shalt  }
0x7c: {  	_ =	shalt  }
0x7d: {  	_ =	shalt  }
0x7e: {  	_ =	shalt  }
0x7f: {  	_ =	shalt  }
0x80: {  	_ =	shalt  }
0x81: {  	_ =	shalt  }
0x82: {  	_ =	shalt  }
0x83: {  	_ =	shalt  }
0x84: {  	_ =	shalt  }
0x85: {  	_ =	shalt  }
0x86: {  	_ =	shalt  }
0x87: {  	_ =	shalt  }
.Lfunc_end0:
.L_simem_size_0:
called_computation.1_lowered:
.L_overlay_start_0:
0x88: {  	s2 =	sld [smem:$0x3FD9]  }
0x89: {  	s3 =	sld [smem:$0x3FFE];
	_ =	sdelay $0x1  }
0x8a: {  	s1 =	srdreg.scid  }
0x8b: {  	s0 =	sand.u32 $0x1, s1  }
0x8c: {  	s17 =	sshll.u32 s0, $0xA;
	s2 =	sadd.s32 s3, s2  }
0x8d: {  	s2 =	sadd.s32 s2, s17  }
0x8e: {  	[smem:$0x3FC2] =	sst s2  }
0x8f: {  	_ = 	snop  }
0x90: {  	s2 =	sld [smem:$0x3FD0];
	(tm) =	ssettm $0x1  }
0x91: {  	s18 =	sld [smem:$0x3FFB];
	_ =	sdelay $0x3  }
0x92: {  	_ =	strace s18  }
0x93: {  	s3 =	sld [smem:$0x3FFC];
	_ =	sdelay $0x3  }
0x94: {  	_ =	strace s3  }
0x95: {  	s3 =	sld [smem:$0x3FFD];
	_ =	sdelay $0x3  }
0x96: {  	_ =	strace s3  }
0x97: {  	_ =	strace $0x8FFFFFFF  }
0x98: {  	s19 =	sld [smem:$0x3FDB];
	_ =	sdelay $0x1  }
0x99: {  	s4 =	simm.s32 $_scs_section_size  }
0x9a: {  	s5 =	simm.s32 $_size__tile_overlayer_lowered;
	s6 =	simm.s32 $_tile_overlayer_lowered  }
0x9b: {  	s22 =	simm.s32 $0x1BFF;
	s21 =	sshll.u32 s6, $0x1;
	s3 =	sadd.s32 s4, s19  }
0x9c: {  	s7 =	simm.s32 $0x0;
	s20 =	sshll.u32 s5, $0x1;
	s5 =	sadd.s32 s21, s3  }
0x9d: {  	[timem:s7], [sflag:s22] =	dma.local [hbm:s5], s20  }
0x9e: {  	_ =	swait.ge [sflag:s22], s20  }
0x9f: {  	s4 =	ssub.s32 $0x0, s20;
	[sflag:s22] =	ssyncset.done $0x0  }
0xa0: {  	[sflag:s22] =	ssyncadd.s32 s4;
	_ =	sdelay $0x1  }
0xa1: {  	s23 =	simm.s32 $0x1B8B  }
0xa2: {  	_ =	swait.ge [sflag:s23], $0x1  }
0xa3: {  	[sflag:s23] =	ssyncset.done $0x0  }
0xa4: {  	s25 =	simm.s32 $0x1B8E;
	s24 =	sld [smem:$0x3FFE];
	[sflag:s23] =	ssyncadd.s32 $0xFFFFFFFF  }
0xa5: {  	s26 =	simm.s32 $execute0_lowered;
	[smem:$0x3FD2] =	sst s25  }
0xa6: {  	s5 =	sshll.u32 s26, $0x1;
	_ =	strace $0x80000049;
	[dreg:$0x1] =	wrdreg $0xFFFFFFFF  }
0xa7: {  	s28 =	simm.s32 $_size_execute0_lowered;
	s3 =	sadd.s32 s3, s5;
	[dreg:$0x0] =	wrdreg $0x0  }
0xa8: {  	s5 =	sshll.u32 s28, $0x1;
	[dreg:$0x2] =	wrdreg s3  }
0xa9: {  	[dreg:$0x3] =	wrdreg s5  }
0xaa: {  	[dreg:$0x4] =	wrdreg $0xC0  }
0xab: {  	_ =	task [dreg:s7], $0x5FFFF  }
0xac: {  	[dreg:$0x1] =	wrdreg $0xFFFFFFFF  }
0xad: {  	[dreg:$0x0] =	wrdreg $0x60  }
0xae: {  	[dreg:$0x2] =	wrdreg s24  }
0xaf: {  	[dreg:$0x3] =	wrdreg s2  }
0xb0: {  	[dreg:$0x4] =	wrdreg $0x146000  }
0xb1: {  	[dreg:$0x5] =	wrdreg $0x9  }
0xb2: {  	_ =	task.clear_ibuf [dreg:s7], $0x6FFFF;
	_ =	strace $0x90000049  }
0xb3: {  	s29 =	simm.s32 $0x9;
	_ =	strace $0x8000004B  }
0xb4: {  	_ =	swait.ge [sflag:s29], $0x1  }
0xb5: {  	[sflag:s29] =	ssyncadd.s32 $0xFFFFFFFF  }
0xb6: {  	_ =	strace $0x9000004B  }
0xb7: {  	_ =	sfence  }
0xb8: {  	s30 =	sld [smem:$0x0];
	_ =	sdelay $0x2  }
0xb9: {  	s31 =	sshll.u32 s1, $0xD;
	s1 =	sshrl.u32 s1, $0x2  }
0xba: {  	s3 =	sand.u32 $0x4000, s31;
	s1 =	sadd.s32 s1, s30  }
0xbb: {  	s0 =	sor.u32 s3, s0;
	s1 =	sshll.u32 s1, $0x11  }
0xbc: {  	s0 =	sor.u32 s1, s0  }
0xbd: {  	s0 =	sadd.s32 $0x8F2B, s0  }
0xbe: {  	[sflag:s0] =	ssyncadd.remote.s32 $0x1  }
0xbf: {  	_ =	sfence.sel $0xFFFF  }
0xc0: {  	[dreg:$0x0] =	wrdreg $0xFFFFFFFF;
	(pc) =	sbr.abs _section_cstart, $3  }
0xc1: {  	[dreg:$0x1] =	wrdreg $0xFFFFFFFF  }
0xc2: {  	_ =	task.clear_ibuf [dreg:s7], $0x2FFFF;
	_ =	strace $0x9FFFFFFF  }
0xc3: {  	(tm) =	ssettm $0x7FFFFFFF  }
tec
execute0_lowered:
.L_overlay_start_1:
0x0: {  	(tag) =	ssettag $0x1  }
0x1: {  	s5 =	rddreg [dreg:$0x0]  }
0x2: {  	s8 =	rddreg [dreg:$0x1]  }
0x3: {  	s0 =	srdreg.scid;
	s2 =	rddreg [dreg:$0x2];
	s3 =	simm.s32 $0x0  }
0x4: {  	s11 =	simm.s32 $0x1400;
	s12 =	simm.s32 $0xA800;
	s13 =	simm.s32 $0x80  }
0x5: {  	s14 =	simm.s32 $0x2800;
	s15 =	simm.s32 $0x4800;
	s16 =	simm.s32 $0x6800  }
0x6: {  	s17 =	simm.s32 $0x8800;
	s18 =	simm.s32 $0x1;
	s19 =	simm.s32 $0x2  }
0x7: {  	s20 =	simm.s32 $0x3;
	s21 =	simm.s32 $0x4;
	s22 =	simm.s32 $0x5  }
0x8: {  	s23 =	simm.s32 $0x6;
	s24 =	simm.s32 $0x7;
	s25 =	simm.s32 $0x8  }
0x9: {  	s26 =	simm.s32 $0x0;
	s4 =	sand.u32 $0x1, s0;
	s0 =	stileid.u32  }
0xa: {  	[smem:$0x7FF] =	sst s3;
	s1 =	sshll.u32 s4, $0x4;
	s7 =	smul.u32 $0x9E00, s0  }
0xb: {  	s9 =	smul.u32 $0x9E000, s4;
	s10 =	ssub.s32 $0x2, s4;
	s1 =	sor.u32 s0, s1  }
0xc: {  	s4 =	sadd.s32 $0xBC00, s5;
	s31 =	sshrl.u32 s10, $0x1;
	s6 =	smul.u32 $0x280, s1  }
0xd: {  	s1 =	rddreg [dreg:$0x3];
	_ =	strace $0x8000004A;
	s9 =	sadd.s32 s7, s9  }
0xe: {  	s10 =	ssub.s32 s10, s31;
	s7 =	sadd.s32 s7, s2;
	s9 =	sshrl.u32 s9, $0x3  }
0xf: {  	s6 =	sadd.s32 s6, s5;
	s8 =	sadd.s32 s8, s9;
	s9 =	smax.u32 s10, $0x1  }
0x10: {  	v0 =	vimm.f32 $0.0e+00;
	s10 =	simm.s32 $0x9;
	s5 =	sadd.s32 $0x1C00, s6;
	s6 =	sadd.s32 $0x6C00, s6  }
.LBB2_1:
0x11: {  	[tilespmem:s3], [sflag:$0x9] =	stream.linear.gather [hbm4b:s5+s3], $0x1400, $0x38;
	[tilespmem:$0x1E400] =	vst v63  }
0x12: {  	_ =	swait.ge [sflag:s10], $0x1400  }
0x13: {  	[sflag:s10] =	ssyncset.done $0x0  }
0x14: {  	[sflag:s10] =	ssyncadd.s32 $0xFFFFEC00  }
0x15: {  	[tilespmem:s11], [sflag:$0x9] =	stream.linear.gather [hbm4b:s6+s3], $0x1400, $0x38;
	[tilespmem:$0x1E400] =	vst v63  }
0x16: {  	_ =	swait.ge [sflag:s10], $0x1400  }
0x17: {  	[sflag:s10] =	ssyncset.done $0x0  }
0x18: {  	s28 =	simm.s32 $0x0;
	s29 =	simm.s32 $0x200;
	[sflag:s10] =	ssyncadd.s32 $0xFFFFEC00  }
.LBB2_2:
0x19: {  	p0 =	sne.s32 s29, $0x27600;
	[tilespmem:s28+$0xA870] =	vst v0  }
0x1a: {  	[tilespmem:s28+$0xA800] =	vst v0  }
0x1b: {  	[tilespmem:s28+$0xA810] =	vst v0  }
.Ltmp0:
0x1c: {  	[tilespmem:s28+$0xA820] =	vst v0;
	(pc) =	sbr.rel @p0 .LBB2_2-.Ltmp0, $4  }
0x1d: {  	[tilespmem:s28+$0xA830] =	vst v0  }
0x1e: {  	[tilespmem:s28+$0xA840] =	vst v0  }
0x1f: {  	[tilespmem:s28+$0xA850] =	vst v0  }
0x20: {  	[tilespmem:s28+$0xA860] =	vst v0;
	s28 =	sshra.s32 s29, $0x2;
	s29 =	sadd.s32 $0x200, s29  }
0x21: {  	[tilespmem:s28+$0xA870] =	vst v0  }
0x22: {  	[tilespmem:s28+$0xA800] =	vst v0  }
0x23: {  	[tilespmem:s28+$0xA810] =	vst v0  }
0x24: {  	[tilespmem:s28+$0xA820] =	vst v0  }
0x25: {  	[tilespmem:s28+$0xA830] =	vst v0  }
0x26: {  	[tilespmem:s28+$0xA840] =	vst v0  }
0x27: {  	[tilespmem:s28+$0xA850] =	vst v0  }
0x28: {  	[tilespmem:s28+$0xA860] =	vst v0  }
0x29: {  	[spmem:s7] =	stream.linear.scatter [tilespmem:s12], [sflag:$0x9], $0x9E00, $0x38;
	[tilespmem:$0x1E400] =	vst v63  }
0x2a: {  	_ =	swait.ge [sflag:s10], $0x9E00  }
0x2b: {  	[sflag:s10] =	ssyncset.done $0x0  }
0x2c: {  	[sflag:s10] =	ssyncadd.s32 $0xFFFF6200  }
0x2d: {  	s28 =	simm.s32 $0x0;
	[bflag:$0x0] =	sbarrier.arrive $0xFFFF  }
0x2e: {  	[tilespmem:s14], [sflag:$0x1] =	stream.indirect.gather [hbm4b:s4+s13], $0x40, s28, s13, $0xb8;
	[tilespmem:$0x1E400] =	vst v63  }
0x2f: {  	s28 =	simm.s32 $0x80  }
0x30: {  	[tilespmem:s15], [sflag:$0x2] =	stream.indirect.gather [hbm4b:s4+s13], $0x40, s28, s13, $0xb8;
	[tilespmem:$0x1E400] =	vst v63  }
0x31: {  	s28 =	simm.s32 $0x100  }
0x32: {  	[tilespmem:s16], [sflag:$0x3] =	stream.indirect.gather [hbm4b:s4+s13], $0x40, s28, s13, $0xb8;
	[tilespmem:$0x1E400] =	vst v63  }
0x33: {  	s28 =	simm.s32 $0x180  }
0x34: {  	[tilespmem:s17], [sflag:$0x4] =	stream.indirect.gather [hbm4b:s4+s13], $0x40, s28, s13, $0xb8;
	[tilespmem:$0x1E400] =	vst v63  }
0x35: {  	_ =	swait.ge [sflag:s18], $0x2000  }
0x36: {  	[sflag:s18] =	ssyncset.done $0x0  }
0x37: {  	s28 =	simm.s32 $0x1400;
	[sflag:s18] =	ssyncadd.s32 $0xFFFFE000  }
0x38: {  	[spmem:s2] =	stream.indirect.scatter.add.f32 [tilespmem:s14], [sflag:$0x5], $0x40, s28, s13, $0xb8;
	[tilespmem:$0x1E400] =	vst v63  }
0x39: {  	_ =	swait.ge [sflag:s19], $0x2000  }
0x3a: {  	[sflag:s19] =	ssyncset.done $0x0  }
0x3b: {  	s28 =	simm.s32 $0x1480;
	[sflag:s19] =	ssyncadd.s32 $0xFFFFE000  }
0x3c: {  	[spmem:s2] =	stream.indirect.scatter.add.f32 [tilespmem:s15], [sflag:$0x6], $0x40, s28, s13, $0xb8;
	[tilespmem:$0x1E400] =	vst v63  }
0x3d: {  	_ =	swait.ge [sflag:s20], $0x2000  }
0x3e: {  	[sflag:s20] =	ssyncset.done $0x0  }
0x3f: {  	s28 =	simm.s32 $0x1500;
	[sflag:s20] =	ssyncadd.s32 $0xFFFFE000  }
0x40: {  	[spmem:s2] =	stream.indirect.scatter.add.f32 [tilespmem:s16], [sflag:$0x7], $0x40, s28, s13, $0xb8;
	[tilespmem:$0x1E400] =	vst v63  }
0x41: {  	_ =	swait.ge [sflag:s21], $0x2000  }
0x42: {  	[sflag:s21] =	ssyncset.done $0x0  }
0x43: {  	s28 =	simm.s32 $0x1580;
	[sflag:s21] =	ssyncadd.s32 $0xFFFFE000  }
0x44: {  	[spmem:s2] =	stream.indirect.scatter.add.f32 [tilespmem:s17], [sflag:$0x8], $0x40, s28, s13, $0xb8;
	[tilespmem:$0x1E400] =	vst v63  }
0x45: {  	_ =	swait.ge [sflag:s22], $0x2000  }
0x46: {  	[sflag:s22] =	ssyncset.done $0x0  }
0x47: {  	[sflag:s22] =	ssyncadd.s32 $0xFFFFE000  }
0x48: {  	_ =	swait.ge [sflag:s23], $0x2000  }
0x49: {  	[sflag:s23] =	ssyncset.done $0x0  }
0x4a: {  	[sflag:s23] =	ssyncadd.s32 $0xFFFFE000  }
0x4b: {  	_ =	swait.ge [sflag:s24], $0x2000  }
0x4c: {  	[sflag:s24] =	ssyncset.done $0x0  }
0x4d: {  	[sflag:s24] =	ssyncadd.s32 $0xFFFFE000  }
0x4e: {  	_ =	swait.ge [sflag:s25], $0x2000  }
0x4f: {  	s30 =	simm.s32 $0x1000;
	s28 =	simm.s32 $0x800;
	[sflag:s25] =	ssyncset.done $0x0  }
.LBB2_4:
0x50: {  	s31 =	sshra.s32 s28, $0x2  }
0x51: {  	[sflag:s25] =	ssyncadd.s32 $0xFFFFE000;
	s28 =	smov.u32 s30;
	s29 =	sadd.s32 $0x800, s30  }
0x52: {  	[tilespmem:s14], [sflag:$0x1] =	stream.indirect.gather [hbm4b:s4+s13], $0x40, s31, s13, $0xb8;
	[tilespmem:$0x1E400] =	vst v63  }
0x53: {  	p0 =	sne.s32 s30, $0x4800;
	s30 =	sadd.s32 $0x80, s31  }
0x54: {  	[tilespmem:s15], [sflag:$0x2] =	stream.indirect.gather [hbm4b:s4+s13], $0x40, s30, s13, $0xb8;
	[tilespmem:$0x1E400] =	vst v63  }
0x55: {  	s30 =	sadd.s32 $0x100, s31  }
0x56: {  	[tilespmem:s16], [sflag:$0x3] =	stream.indirect.gather [hbm4b:s4+s13], $0x40, s30, s13, $0xb8;
	[tilespmem:$0x1E400] =	vst v63  }
0x57: {  	s30 =	sadd.s32 $0x180, s31  }
0x58: {  	[tilespmem:s17], [sflag:$0x4] =	stream.indirect.gather [hbm4b:s4+s13], $0x40, s30, s13, $0xb8;
	[tilespmem:$0x1E400] =	vst v63  }
0x59: {  	_ =	swait.ge [sflag:s18], $0x2000  }
0x5a: {  	[sflag:s18] =	ssyncset.done $0x0  }
0x5b: {  	s30 =	sadd.s32 $0x1400, s31;
	[sflag:s18] =	ssyncadd.s32 $0xFFFFE000  }
0x5c: {  	[spmem:s2] =	stream.indirect.scatter.add.f32 [tilespmem:s14], [sflag:$0x5], $0x40, s30, s13, $0xb8;
	[tilespmem:$0x1E400] =	vst v63  }
0x5d: {  	_ =	swait.ge [sflag:s19], $0x2000  }
0x5e: {  	[sflag:s19] =	ssyncset.done $0x0  }
0x5f: {  	s30 =	sadd.s32 $0x1480, s31;
	[sflag:s19] =	ssyncadd.s32 $0xFFFFE000  }
0x60: {  	[spmem:s2] =	stream.indirect.scatter.add.f32 [tilespmem:s15], [sflag:$0x6], $0x40, s30, s13, $0xb8;
	[tilespmem:$0x1E400] =	vst v63  }
0x61: {  	_ =	swait.ge [sflag:s20], $0x2000  }
0x62: {  	[sflag:s20] =	ssyncset.done $0x0  }
0x63: {  	s30 =	sadd.s32 $0x1500, s31;
	[sflag:s20] =	ssyncadd.s32 $0xFFFFE000  }
0x64: {  	[spmem:s2] =	stream.indirect.scatter.add.f32 [tilespmem:s16], [sflag:$0x7], $0x40, s30, s13, $0xb8;
	[tilespmem:$0x1E400] =	vst v63  }
0x65: {  	_ =	swait.ge [sflag:s21], $0x2000  }
0x66: {  	[sflag:s21] =	ssyncset.done $0x0  }
0x67: {  	s30 =	sadd.s32 $0x1580, s31;
	[sflag:s21] =	ssyncadd.s32 $0xFFFFE000  }
0x68: {  	[spmem:s2] =	stream.indirect.scatter.add.f32 [tilespmem:s17], [sflag:$0x8], $0x40, s30, s13, $0xb8;
	[tilespmem:$0x1E400] =	vst v63  }
0x69: {  	_ =	swait.ge [sflag:s22], $0x2000  }
0x6a: {  	[sflag:s22] =	ssyncset.done $0x0  }
0x6b: {  	[sflag:s22] =	ssyncadd.s32 $0xFFFFE000  }
0x6c: {  	_ =	swait.ge [sflag:s23], $0x2000  }
0x6d: {  	[sflag:s23] =	ssyncset.done $0x0  }
0x6e: {  	[sflag:s23] =	ssyncadd.s32 $0xFFFFE000  }
.Ltmp1:
0x6f: {  	_ =	swait.ge [sflag:s24], $0x2000;
	(pc) =	sbr.rel @p0 .LBB2_4-.Ltmp1, $4  }
0x70: {  	[sflag:s24] =	ssyncset.done $0x0  }
0x71: {  	[sflag:s24] =	ssyncadd.s32 $0xFFFFE000  }
0x72: {  	_ =	swait.ge [sflag:s25], $0x2000  }
0x73: {  	s30 =	smov.u32 s29;
	[sflag:s25] =	ssyncset.done $0x0  }
0x74: {  	s28 =	sshra.s32 s28, $0x2;
	[sflag:s25] =	ssyncadd.s32 $0xFFFFE000  }
0x75: {  	[tilespmem:s14], [sflag:$0x1] =	stream.indirect.gather [hbm4b:s4+s13], $0x40, s28, s13, $0xb8;
	[tilespmem:$0x1E400] =	vst v63  }
0x76: {  	s29 =	sadd.s32 $0x80, s28  }
0x77: {  	[tilespmem:s15], [sflag:$0x2] =	stream.indirect.gather [hbm4b:s4+s13], $0x40, s29, s13, $0xb8;
	[tilespmem:$0x1E400] =	vst v63  }
0x78: {  	s31 =	sadd.s32 $0x100, s28  }
0x79: {  	[tilespmem:s16], [sflag:$0x3] =	stream.indirect.gather [hbm4b:s4+s13], $0x40, s31, s13, $0xb8;
	[tilespmem:$0x1E400] =	vst v63  }
0x7a: {  	s30 =	sadd.s32 $0x180, s28  }
0x7b: {  	[tilespmem:s17], [sflag:$0x4] =	stream.indirect.gather [hbm4b:s4+s13], $0x40, s30, s13, $0xb8;
	[tilespmem:$0x1E400] =	vst v63  }
0x7c: {  	_ =	swait.ge [sflag:s18], $0x2000  }
0x7d: {  	[sflag:s18] =	ssyncset.done $0x0  }
0x7e: {  	s31 =	sadd.s32 $0x1400, s28;
	[sflag:s18] =	ssyncadd.s32 $0xFFFFE000  }
0x7f: {  	[spmem:s2] =	stream.indirect.scatter.add.f32 [tilespmem:s14], [sflag:$0x5], $0x40, s31, s13, $0xb8;
	[tilespmem:$0x1E400] =	vst v63  }
0x80: {  	_ =	swait.ge [sflag:s19], $0x2000  }
0x81: {  	[sflag:s19] =	ssyncset.done $0x0  }
0x82: {  	s30 =	sadd.s32 $0x1480, s28;
	[sflag:s19] =	ssyncadd.s32 $0xFFFFE000  }
0x83: {  	[spmem:s2] =	stream.indirect.scatter.add.f32 [tilespmem:s15], [sflag:$0x6], $0x40, s30, s13, $0xb8;
	[tilespmem:$0x1E400] =	vst v63  }
0x84: {  	_ =	swait.ge [sflag:s20], $0x2000  }
0x85: {  	[sflag:s20] =	ssyncset.done $0x0  }
0x86: {  	s31 =	sadd.s32 $0x1500, s28;
	[sflag:s20] =	ssyncadd.s32 $0xFFFFE000  }
0x87: {  	[spmem:s2] =	stream.indirect.scatter.add.f32 [tilespmem:s16], [sflag:$0x7], $0x40, s31, s13, $0xb8;
	[tilespmem:$0x1E400] =	vst v63  }
0x88: {  	_ =	swait.ge [sflag:s21], $0x2000  }
0x89: {  	[sflag:s21] =	ssyncset.done $0x0  }
0x8a: {  	s28 =	sadd.s32 $0x1580, s28;
	[sflag:s21] =	ssyncadd.s32 $0xFFFFE000  }
0x8b: {  	[spmem:s2] =	stream.indirect.scatter.add.f32 [tilespmem:s17], [sflag:$0x8], $0x40, s28, s13, $0xb8;
	[tilespmem:$0x1E400] =	vst v63  }
0x8c: {  	_ =	swait.ge [sflag:s22], $0x2000  }
0x8d: {  	[sflag:s22] =	ssyncset.done $0x0  }
0x8e: {  	[sflag:s22] =	ssyncadd.s32 $0xFFFFE000  }
0x8f: {  	_ =	swait.ge [sflag:s23], $0x2000  }
0x90: {  	[sflag:s23] =	ssyncset.done $0x0  }
0x91: {  	[sflag:s23] =	ssyncadd.s32 $0xFFFFE000  }
0x92: {  	_ =	swait.ge [sflag:s24], $0x2000  }
0x93: {  	[sflag:s24] =	ssyncset.done $0x0  }
0x94: {  	[sflag:s24] =	ssyncadd.s32 $0xFFFFE000  }
0x95: {  	_ =	swait.ge [sflag:s25], $0x2000  }
0x96: {  	[sflag:s25] =	ssyncset.done $0x0  }
0x97: {  	[sflag:s25] =	ssyncadd.s32 $0xFFFFE000  }
0x98: {  	[bflag:$0x0] =	sbarrier.arrive $0xFFFF  }
0x99: {  	[tilespmem:s12], [sflag:$0x9] =	stream.linear.gather [spmem:s7], $0x9E00, $0x38;
	[tilespmem:$0x1E400] =	vst v63  }
0x9a: {  	s26 =	sadd.s32 $0x1, s26;
	_ =	swait.ge [sflag:s10], $0x9E00  }
0x9b: {  	p0 =	sne.s32 s26, s9;
	[sflag:s10] =	ssyncset.done $0x0  }
.Ltmp2:
0x9c: {  	[sflag:s10] =	ssyncadd.s32 $0xFFFF6200;
	(pc) =	sbr.rel @p0 .LBB2_1-.Ltmp2, $4  }
0x9d: {  	[hbm4b:s8+s3] =	stream.linear.scatter [tilespmem:s12], [sflag:$0x9], $0x9E00, $0x38;
	[tilespmem:$0x1E400] =	vst v63  }
0x9e: {  	_ =	swait.ge [sflag:s10], $0x9E00  }
0x9f: {  	[sflag:s10] =	ssyncset.done $0x0  }
0xa0: {  	[sflag:s10] =	ssyncadd.s32 $0xFFFF6200  }
0xa1: {  	_ =	sfence.sel $0x180000  }
0xa2: {  	[bflag:$0x0] =	sbarrier.arrive $0xFFFF  }
0xa3: {  	p0 =	sne.s32 s0, $0x0;
	_ =	strace $0x9000004A  }
0xa4: {  	s0 =	sadd.s32 @!p0 $0x100000, s1;
	[bflag:$0x2] =	sbarrier.arrive $0xFFFF  }
0xa5: {  	[sflag:s0] =	ssyncadd.tile.s32 @!p0 $0x1;
	_ =	shalt  }
.Lfunc_end2:
_tile_overlayer_lowered:
.L_overlay_start_2:
0xa6: {  	(tag) =	ssettag $0x2  }
0xa7: {  	s0 =	rddreg [dreg:$0x0];
	s2 =	stileid.u32  }
0xa8: {  	s1 =	rddreg [dreg:$0x1];
	p0 =	sne.s32 s2, $0x0  }
0xa9: {  	s3 =	rddreg [dreg:$0x2];
	[bflag:$0x3] =	sbarrier.arrive $0xFFFF;
	s2 =	simm.s32 @!p0 $0x1C09  }
0xaa: {  	[timem:s3], [sflag:s2] =	dma.local @!p0 [hbm:s0], s1  }
0xab: {  	s0 =	simm.s32 @!p0 $0x9  }
0xac: {  	_ =	swait.ge @!p0 [sflag:s0], s1  }
0xad: {  	s1 =	ssub.s32 @!p0 $0x0, s1;
	[sflag:s0] =	ssyncset.done @!p0 $0x0  }
0xae: {  	[sflag:s0] =	ssyncadd.s32 @!p0 s1  }
0xaf: {  	[bflag:$0x3] =	sbarrier.arrive $0xFFFF  }
0xb0: {  	_ =	shalt  }

// kernel: kernel.14.cloned.1.call-start
scs
__scs_entry_jumppad:
0x0: {  	(pc) =	sbr.rel $0x88, $3  }
0x1: {  	(tag) =	ssettag $0x0;
	lr =	simm.s32 $0x1  }
0x2: {  	[smem:$0x3F9B] =	sst lr;
	_ =	strace $0xD0000000  }
0x3: {  	_ = 	snop  }
0x4: {  	_ = 	snop  }
0x5: {  	_ = 	snop  }
0x6: {  	_ = 	snop  }
0x7: {  	_ = 	snop  }
__scs_overlays_trampoline_lowered:
0x8: {  	[smem:$0x3FAA] =	sst s0  }
0x9: {  	[smem:$0x3FAB] =	sst s1  }
0xa: {  	[smem:$0x3FAC] =	sst s2  }
0xb: {  	[smem:$0x3FAD] =	sst s3  }
0xc: {  	[smem:$0x3FAE] =	sst s4  }
0xd: {  	[smem:$0x3FAF] =	sst s5  }
0xe: {  	[smem:$0x3FB0] =	sst s6  }
0xf: {  	[smem:$0x3FB1] =	sst s7  }
0x10: {  	[smem:$0x3FB2] =	sst s8  }
0x11: {  	[smem:$0x3FB3] =	sst s9;
	s0 =	simm.s32 @!p0 $0x0  }
0x12: {  	s1 =	sld [smem:$0x3F99];
	s0 =	simm.s32 @p0 $0x1  }
0x13: {  	[smem:$0x3FB4] =	sst s0;
	s0 =	simm.s32 @!p1 $0x0  }
0x14: {  	s2 =	sld [smem:$0x3F98];
	s0 =	simm.s32 @p1 $0x1  }
0x15: {  	[smem:$0x3FB5] =	sst s0;
	s0 =	simm.s32 @!p2 $0x0  }
0x16: {  	s3 =	sld [smem:$0x3FDB];
	s0 =	simm.s32 @p2 $0x1  }
0x17: {  	s4 =	simm.s32 $0x1BF5;
	[smem:$0x3FB7] =	sst s0  }
0x18: {  	s0 =	sld [smem:$0x3F9A];
	_ =	swait.ge [sflag:s4], $0x0  }
0x19: {  	s7 =	sld [smem:$0x3F9B]  }
0x1a: {  	s8 =	sadd.s32 $0xFFFFE003, lr  }
0x1b: {  	s9 =	sadd.s32 $0xFFFFFEF7, lr;
	s5 =	simm.s32 $0xFFFFFFFF;
	p2 =	slt.u32 s8, $0xFFFFF086  }
0x1c: {  	p1 =	slt.u32 s9, $0xF7A;
	s5 =	simm.s32 @!p2 $0x0  }
0x1d: {  	s5 =	simm.s32 @p1 $0x1;
	p0 =	seq.s32 s7, s2  }
0x1e: {  	s7 =	smul.u32 @!p0 $0xF7A, s2;
	p2 =	seq.s32 @!p0 s5, $0x0  }
0x1f: {  	s9 =	smul.u32 $0xF7A, s1;
	s8 =	simm.s32 @!p0 $0x1BF5;
	p2 =	por !p2, p0  }
0x20: {  	[sflag:s8] =	ssyncset.s32 @!p0 $0xFFFFF086;
	s6 =	sadd.s32 @!p0 s3, s7;
	s7 =	simm.s32 @!p0 $0x108  }
0x21: {  	s3 =	sadd.s32 s3, s9;
	s6 =	sadd.s32 @!p0 $0x88, s6;
	s7 =	simm.s32 @p2 $0x1082  }
0x22: {  	[simem:s7], [sflag:s8] =	dma.local @!p0 [hbm:s6], $0xF7A  }
0x23: {  	s9 =	sor.u32 $0xD0000000, s2;
	s6 =	simm.s32 $0x108;
	_ =	swait.ge @!p0 [sflag:s8], $0x0  }
0x24: {  	s3 =	sadd.s32 $0x88, s3;
	s6 =	simm.s32 @!p1 $0x1082;
	[sflag:s4] =	ssyncset.s32 $0xFFFFF086  }
0x25: {  	[simem:s6], [sflag:s4] =	dma.local [hbm:s3], $0xF7A  }
0x26: {  	[smem:$0x3F9B] =	sst s1;
	(tag) =	ssettag s2;
	_ =	strace s9  }
0x27: {  	s1 =	sld [smem:$0x3FAB]  }
0x28: {  	s2 =	sld [smem:$0x3FAC]  }
0x29: {  	s4 =	sld [smem:$0x3FAE]  }
0x2a: {  	p0 =	seq.s32 s5, $0x0;
	s5 =	sld [smem:$0x3FAF]  }
0x2b: {  	s6 =	sld [smem:$0x3FB0]  }
0x2c: {  	s7 =	sld [smem:$0x3FB1]  }
0x2d: {  	s3 =	simm.s32 $0x108;
	s8 =	sld [smem:$0x3FB2]  }
0x2e: {  	s3 =	simm.s32 @!p0 $0x1082;
	s9 =	sld [smem:$0x3FB3]  }
0x2f: {  	lr =	sadd.s32 s0, s3;
	s0 =	sld [smem:$0x3FAA]  }
0x30: {  	s3 =	sld [smem:$0x3FAD]  }
0x31: {  	[smem:$0x3FB6] =	sst s10  }
0x32: {  	s10 =	sld [smem:$0x3FB4];
	_ =	sdelay $0x3  }
0x33: {  	p0 =	seq.s32 s10, $0x1;
	s10 =	sld [smem:$0x3FB6];
	_ =	sdelay $0x3  }
0x34: {  	[smem:$0x3FB6] =	sst s10  }
0x35: {  	s10 =	sld [smem:$0x3FB5];
	_ =	sdelay $0x3  }
0x36: {  	p1 =	seq.s32 s10, $0x1;
	s10 =	sld [smem:$0x3FB6];
	_ =	sdelay $0x3  }
0x37: {  	[smem:$0x3FB6] =	sst s10  }
0x38: {  	s10 =	sld [smem:$0x3FB7]  }
0x39: {  	_ = 	snop;
	(pc) =	sbr.ind lr, $3  }
0x3a: {  	_ = 	snop  }
0x3b: {  	_ = 	snop  }
0x3c: {  	p2 =	seq.s32 s10, $0x1;
	s10 =	sld [smem:$0x3FB6]  }
0x3d: {  	_ =	shalt  }
0x3e: {  	_ =	shalt  }
0x3f: {  	_ =	shalt  }
0x40: {  	_ =	shalt  }
0x41: {  	_ =	shalt  }
0x42: {  	_ =	shalt  }
0x43: {  	_ =	shalt  }
0x44: {  	_ =	shalt  }
0x45: {  	_ =	shalt  }
0x46: {  	_ =	shalt  }
0x47: {  	_ =	shalt  }
0x48: {  	_ =	shalt  }
0x49: {  	_ =	shalt  }
0x4a: {  	_ =	shalt  }
0x4b: {  	_ =	shalt  }
0x4c: {  	_ =	shalt  }
0x4d: {  	_ =	shalt  }
0x4e: {  	_ =	shalt  }
0x4f: {  	_ =	shalt  }
0x50: {  	_ =	shalt  }
0x51: {  	_ =	shalt  }
0x52: {  	_ =	shalt  }
0x53: {  	_ =	shalt  }
0x54: {  	_ =	shalt  }
0x55: {  	_ =	shalt  }
0x56: {  	_ =	shalt  }
0x57: {  	_ =	shalt  }
0x58: {  	_ =	shalt  }
0x59: {  	_ =	shalt  }
0x5a: {  	_ =	shalt  }
0x5b: {  	_ =	shalt  }
0x5c: {  	_ =	shalt  }
0x5d: {  	_ =	shalt  }
0x5e: {  	_ =	shalt  }
0x5f: {  	_ =	shalt  }
0x60: {  	_ =	shalt  }
0x61: {  	_ =	shalt  }
0x62: {  	_ =	shalt  }
0x63: {  	_ =	shalt  }
0x64: {  	_ =	shalt  }
0x65: {  	_ =	shalt  }
0x66: {  	_ =	shalt  }
0x67: {  	_ =	shalt  }
0x68: {  	_ =	shalt  }
0x69: {  	_ =	shalt  }
0x6a: {  	_ =	shalt  }
0x6b: {  	_ =	shalt  }
0x6c: {  	_ =	shalt  }
0x6d: {  	_ =	shalt  }
0x6e: {  	_ =	shalt  }
0x6f: {  	_ =	shalt  }
0x70: {  	_ =	shalt  }
0x71: {  	_ =	shalt  }
0x72: {  	_ =	shalt  }
0x73: {  	_ =	shalt  }
0x74: {  	_ =	shalt  }
0x75: {  	_ =	shalt  }
0x76: {  	_ =	shalt  }
0x77: {  	_ =	shalt  }
0x78: {  	_ =	shalt  }
0x79: {  	_ =	shalt  }
0x7a: {  	_ =	shalt  }
0x7b: {  	_ =	shalt  }
0x7c: {  	_ =	shalt  }
0x7d: {  	_ =	shalt  }
0x7e: {  	_ =	shalt  }
0x7f: {  	_ =	shalt  }
0x80: {  	_ =	shalt  }
0x81: {  	_ =	shalt  }
0x82: {  	_ =	shalt  }
0x83: {  	_ =	shalt  }
0x84: {  	_ =	shalt  }
0x85: {  	_ =	shalt  }
0x86: {  	_ =	shalt  }
0x87: {  	_ =	shalt  }
.Lfunc_end0:
.L_simem_size_0:
called_computation.2_lowered:
.L_overlay_start_0:
0x88: {  	s2 =	sld [smem:$0x3FD9]  }
0x89: {  	s3 =	sld [smem:$0x3FFE];
	_ =	sdelay $0x1  }
0x8a: {  	s1 =	srdreg.scid  }
0x8b: {  	s0 =	sand.u32 $0x1, s1  }
0x8c: {  	s17 =	sshll.u32 s0, $0xA;
	s2 =	sadd.s32 s3, s2  }
0x8d: {  	s2 =	sadd.s32 s2, s17  }
0x8e: {  	[smem:$0x3FC2] =	sst s2  }
0x8f: {  	_ = 	snop  }
0x90: {  	s2 =	sld [smem:$0x3FD0];
	(tm) =	ssettm $0x1  }
0x91: {  	s18 =	sld [smem:$0x3FFB];
	_ =	sdelay $0x3  }
0x92: {  	_ =	strace s18  }
0x93: {  	s3 =	sld [smem:$0x3FFC];
	_ =	sdelay $0x3  }
0x94: {  	_ =	strace s3  }
0x95: {  	s3 =	sld [smem:$0x3FFD];
	_ =	sdelay $0x3  }
0x96: {  	_ =	strace s3  }
0x97: {  	_ =	strace $0x8FFFFFFF  }
0x98: {  	s19 =	sld [smem:$0x3FDB];
	_ =	sdelay $0x1  }
0x99: {  	s4 =	simm.s32 $_scs_section_size  }
0x9a: {  	s5 =	simm.s32 $_size__tile_overlayer_lowered;
	s6 =	simm.s32 $_tile_overlayer_lowered  }
0x9b: {  	s22 =	simm.s32 $0x1BFF;
	s21 =	sshll.u32 s6, $0x1;
	s3 =	sadd.s32 s4, s19  }
0x9c: {  	s7 =	simm.s32 $0x0;
	s20 =	sshll.u32 s5, $0x1;
	s5 =	sadd.s32 s21, s3  }
0x9d: {  	[timem:s7], [sflag:s22] =	dma.local [hbm:s5], s20  }
0x9e: {  	_ =	swait.ge [sflag:s22], s20  }
0x9f: {  	s4 =	ssub.s32 $0x0, s20;
	[sflag:s22] =	ssyncset.done $0x0  }
0xa0: {  	[sflag:s22] =	ssyncadd.s32 s4;
	_ =	sdelay $0x1  }
0xa1: {  	s23 =	simm.s32 $0x1B8B  }
0xa2: {  	_ =	swait.ge [sflag:s23], $0x1  }
0xa3: {  	[sflag:s23] =	ssyncset.done $0x0  }
0xa4: {  	s25 =	simm.s32 $0x1B8E;
	s24 =	sld [smem:$0x3FFE];
	[sflag:s23] =	ssyncadd.s32 $0xFFFFFFFF  }
0xa5: {  	s26 =	simm.s32 $execute0_lowered;
	[smem:$0x3FD2] =	sst s25  }
0xa6: {  	s5 =	sshll.u32 s26, $0x1;
	_ =	strace $0x8000004C;
	[dreg:$0x1] =	wrdreg $0xFFFFFFFF  }
0xa7: {  	s28 =	simm.s32 $_size_execute0_lowered;
	s3 =	sadd.s32 s3, s5;
	[dreg:$0x0] =	wrdreg $0x0  }
0xa8: {  	s5 =	sshll.u32 s28, $0x1;
	[dreg:$0x2] =	wrdreg s3  }
0xa9: {  	[dreg:$0x3] =	wrdreg s5  }
0xaa: {  	[dreg:$0x4] =	wrdreg $0xC0  }
0xab: {  	_ =	task [dreg:s7], $0x5FFFF  }
0xac: {  	[dreg:$0x1] =	wrdreg $0xFFFFFFFF  }
0xad: {  	[dreg:$0x0] =	wrdreg $0x60  }
0xae: {  	[dreg:$0x2] =	wrdreg s24  }
0xaf: {  	[dreg:$0x3] =	wrdreg s2  }
0xb0: {  	[dreg:$0x4] =	wrdreg $0x146000  }
0xb1: {  	[dreg:$0x5] =	wrdreg $0x9  }
0xb2: {  	_ =	task.clear_ibuf [dreg:s7], $0x6FFFF;
	_ =	strace $0x9000004C  }
0xb3: {  	s29 =	simm.s32 $0x9;
	_ =	strace $0x8000004E  }
0xb4: {  	_ =	swait.ge [sflag:s29], $0x1  }
0xb5: {  	[sflag:s29] =	ssyncadd.s32 $0xFFFFFFFF  }
0xb6: {  	_ =	strace $0x9000004E  }
0xb7: {  	_ =	sfence  }
0xb8: {  	s30 =	sld [smem:$0x0];
	_ =	sdelay $0x2  }
0xb9: {  	s31 =	sshll.u32 s1, $0xD;
	s1 =	sshrl.u32 s1, $0x2  }
0xba: {  	s3 =	sand.u32 $0x4000, s31;
	s1 =	sadd.s32 s1, s30  }
0xbb: {  	s0 =	sor.u32 s3, s0;
	s1 =	sshll.u32 s1, $0x11  }
0xbc: {  	s0 =	sor.u32 s1, s0  }
0xbd: {  	s0 =	sadd.s32 $0x8F2B, s0  }
0xbe: {  	[sflag:s0] =	ssyncadd.remote.s32 $0x1  }
0xbf: {  	_ =	sfence.sel $0xFFFF  }
0xc0: {  	[dreg:$0x0] =	wrdreg $0xFFFFFFFF;
	(pc) =	sbr.abs _section_cstart, $3  }
0xc1: {  	[dreg:$0x1] =	wrdreg $0xFFFFFFFF  }
0xc2: {  	_ =	task.clear_ibuf [dreg:s7], $0x2FFFF;
	_ =	strace $0x9FFFFFFF  }
0xc3: {  	(tm) =	ssettm $0x7FFFFFFF  }
tec
execute0_lowered:
.L_overlay_start_1:
0x0: {  	(tag) =	ssettag $0x1  }
0x1: {  	s5 =	rddreg [dreg:$0x0]  }
0x2: {  	s8 =	rddreg [dreg:$0x1]  }
0x3: {  	s0 =	srdreg.scid;
	s2 =	rddreg [dreg:$0x2];
	s3 =	simm.s32 $0x0  }
0x4: {  	s11 =	simm.s32 $0x1400;
	s12 =	simm.s32 $0xA800;
	s13 =	simm.s32 $0x80  }
0x5: {  	s14 =	simm.s32 $0x2800;
	s15 =	simm.s32 $0x4800;
	s16 =	simm.s32 $0x6800  }
0x6: {  	s17 =	simm.s32 $0x8800;
	s18 =	simm.s32 $0x1;
	s19 =	simm.s32 $0x2  }
0x7: {  	s20 =	simm.s32 $0x3;
	s21 =	simm.s32 $0x4;
	s22 =	simm.s32 $0x5  }
0x8: {  	s23 =	simm.s32 $0x6;
	s24 =	simm.s32 $0x7;
	s25 =	simm.s32 $0x8  }
0x9: {  	s26 =	simm.s32 $0x0;
	s4 =	sand.u32 $0x1, s0;
	s0 =	stileid.u32  }
0xa: {  	[smem:$0x7FF] =	sst s3;
	s1 =	sshll.u32 s4, $0x4;
	s7 =	smul.u32 $0x9E00, s0  }
0xb: {  	s9 =	smul.u32 $0x9E000, s4;
	s10 =	ssub.s32 $0x2, s4;
	s1 =	sor.u32 s0, s1  }
0xc: {  	s4 =	sadd.s32 $0xBC00, s5;
	s31 =	sshrl.u32 s10, $0x1;
	s6 =	smul.u32 $0x280, s1  }
0xd: {  	s1 =	rddreg [dreg:$0x3];
	_ =	strace $0x8000004D;
	s9 =	sadd.s32 s7, s9  }
0xe: {  	s10 =	ssub.s32 s10, s31;
	s7 =	sadd.s32 s7, s2;
	s9 =	sshrl.u32 s9, $0x3  }
0xf: {  	s6 =	sadd.s32 s6, s5;
	s8 =	sadd.s32 s8, s9;
	s9 =	smax.u32 s10, $0x1  }
0x10: {  	v0 =	vimm.f32 $0.0e+00;
	s10 =	simm.s32 $0x9;
	s5 =	sadd.s32 $0x1C00, s6;
	s6 =	sadd.s32 $0x6C00, s6  }
.LBB2_1:
0x11: {  	[tilespmem:s3], [sflag:$0x9] =	stream.linear.gather [hbm4b:s5+s3], $0x1400, $0x38;
	[tilespmem:$0x1E400] =	vst v63  }
0x12: {  	_ =	swait.ge [sflag:s10], $0x1400  }
0x13: {  	[sflag:s10] =	ssyncset.done $0x0  }
0x14: {  	[sflag:s10] =	ssyncadd.s32 $0xFFFFEC00  }
0x15: {  	[tilespmem:s11], [sflag:$0x9] =	stream.linear.gather [hbm4b:s6+s3], $0x1400, $0x38;
	[tilespmem:$0x1E400] =	vst v63  }
0x16: {  	_ =	swait.ge [sflag:s10], $0x1400  }
0x17: {  	[sflag:s10] =	ssyncset.done $0x0  }
0x18: {  	s28 =	simm.s32 $0x0;
	s29 =	simm.s32 $0x200;
	[sflag:s10] =	ssyncadd.s32 $0xFFFFEC00  }
.LBB2_2:
0x19: {  	p0 =	sne.s32 s29, $0x27600;
	[tilespmem:s28+$0xA870] =	vst v0  }
0x1a: {  	[tilespmem:s28+$0xA800] =	vst v0  }
0x1b: {  	[tilespmem:s28+$0xA810] =	vst v0  }
.Ltmp0:
0x1c: {  	[tilespmem:s28+$0xA820] =	vst v0;
	(pc) =	sbr.rel @p0 .LBB2_2-.Ltmp0, $4  }
0x1d: {  	[tilespmem:s28+$0xA830] =	vst v0  }
0x1e: {  	[tilespmem:s28+$0xA840] =	vst v0  }
0x1f: {  	[tilespmem:s28+$0xA850] =	vst v0  }
0x20: {  	[tilespmem:s28+$0xA860] =	vst v0;
	s28 =	sshra.s32 s29, $0x2;
	s29 =	sadd.s32 $0x200, s29  }
0x21: {  	[tilespmem:s28+$0xA870] =	vst v0  }
0x22: {  	[tilespmem:s28+$0xA800] =	vst v0  }
0x23: {  	[tilespmem:s28+$0xA810] =	vst v0  }
0x24: {  	[tilespmem:s28+$0xA820] =	vst v0  }
0x25: {  	[tilespmem:s28+$0xA830] =	vst v0  }
0x26: {  	[tilespmem:s28+$0xA840] =	vst v0  }
0x27: {  	[tilespmem:s28+$0xA850] =	vst v0  }
0x28: {  	[tilespmem:s28+$0xA860] =	vst v0  }
0x29: {  	[spmem:s7] =	stream.linear.scatter [tilespmem:s12], [sflag:$0x9], $0x9E00, $0x38;
	[tilespmem:$0x1E400] =	vst v63  }
0x2a: {  	_ =	swait.ge [sflag:s10], $0x9E00  }
0x2b: {  	[sflag:s10] =	ssyncset.done $0x0  }
0x2c: {  	[sflag:s10] =	ssyncadd.s32 $0xFFFF6200  }
0x2d: {  	s28 =	simm.s32 $0x0;
	[bflag:$0x0] =	sbarrier.arrive $0xFFFF  }
0x2e: {  	[tilespmem:s14], [sflag:$0x1] =	stream.indirect.gather [hbm4b:s4+s13], $0x40, s28, s13, $0xb8;
	[tilespmem:$0x1E400] =	vst v63  }
0x2f: {  	s28 =	simm.s32 $0x80  }
0x30: {  	[tilespmem:s15], [sflag:$0x2] =	stream.indirect.gather [hbm4b:s4+s13], $0x40, s28, s13, $0xb8;
	[tilespmem:$0x1E400] =	vst v63  }
0x31: {  	s28 =	simm.s32 $0x100  }
0x32: {  	[tilespmem:s16], [sflag:$0x3] =	stream.indirect.gather [hbm4b:s4+s13], $0x40, s28, s13, $0xb8;
	[tilespmem:$0x1E400] =	vst v63  }
0x33: {  	s28 =	simm.s32 $0x180  }
0x34: {  	[tilespmem:s17], [sflag:$0x4] =	stream.indirect.gather [hbm4b:s4+s13], $0x40, s28, s13, $0xb8;
	[tilespmem:$0x1E400] =	vst v63  }
0x35: {  	_ =	swait.ge [sflag:s18], $0x2000  }
0x36: {  	[sflag:s18] =	ssyncset.done $0x0  }
0x37: {  	s28 =	simm.s32 $0x1400;
	[sflag:s18] =	ssyncadd.s32 $0xFFFFE000  }
0x38: {  	[spmem:s2] =	stream.indirect.scatter.add.f32 [tilespmem:s14], [sflag:$0x5], $0x40, s28, s13, $0xb8;
	[tilespmem:$0x1E400] =	vst v63  }
0x39: {  	_ =	swait.ge [sflag:s19], $0x2000  }
0x3a: {  	[sflag:s19] =	ssyncset.done $0x0  }
0x3b: {  	s28 =	simm.s32 $0x1480;
	[sflag:s19] =	ssyncadd.s32 $0xFFFFE000  }
0x3c: {  	[spmem:s2] =	stream.indirect.scatter.add.f32 [tilespmem:s15], [sflag:$0x6], $0x40, s28, s13, $0xb8;
	[tilespmem:$0x1E400] =	vst v63  }
0x3d: {  	_ =	swait.ge [sflag:s20], $0x2000  }
0x3e: {  	[sflag:s20] =	ssyncset.done $0x0  }
0x3f: {  	s28 =	simm.s32 $0x1500;
	[sflag:s20] =	ssyncadd.s32 $0xFFFFE000  }
0x40: {  	[spmem:s2] =	stream.indirect.scatter.add.f32 [tilespmem:s16], [sflag:$0x7], $0x40, s28, s13, $0xb8;
	[tilespmem:$0x1E400] =	vst v63  }
0x41: {  	_ =	swait.ge [sflag:s21], $0x2000  }
0x42: {  	[sflag:s21] =	ssyncset.done $0x0  }
0x43: {  	s28 =	simm.s32 $0x1580;
	[sflag:s21] =	ssyncadd.s32 $0xFFFFE000  }
0x44: {  	[spmem:s2] =	stream.indirect.scatter.add.f32 [tilespmem:s17], [sflag:$0x8], $0x40, s28, s13, $0xb8;
	[tilespmem:$0x1E400] =	vst v63  }
0x45: {  	_ =	swait.ge [sflag:s22], $0x2000  }
0x46: {  	[sflag:s22] =	ssyncset.done $0x0  }
0x47: {  	[sflag:s22] =	ssyncadd.s32 $0xFFFFE000  }
0x48: {  	_ =	swait.ge [sflag:s23], $0x2000  }
0x49: {  	[sflag:s23] =	ssyncset.done $0x0  }
0x4a: {  	[sflag:s23] =	ssyncadd.s32 $0xFFFFE000  }
0x4b: {  	_ =	swait.ge [sflag:s24], $0x2000  }
0x4c: {  	[sflag:s24] =	ssyncset.done $0x0  }
0x4d: {  	[sflag:s24] =	ssyncadd.s32 $0xFFFFE000  }
0x4e: {  	_ =	swait.ge [sflag:s25], $0x2000  }
0x4f: {  	s30 =	simm.s32 $0x1000;
	s28 =	simm.s32 $0x800;
	[sflag:s25] =	ssyncset.done $0x0  }
.LBB2_4:
0x50: {  	s31 =	sshra.s32 s28, $0x2  }
0x51: {  	[sflag:s25] =	ssyncadd.s32 $0xFFFFE000;
	s28 =	smov.u32 s30;
	s29 =	sadd.s32 $0x800, s30  }
0x52: {  	[tilespmem:s14], [sflag:$0x1] =	stream.indirect.gather [hbm4b:s4+s13], $0x40, s31, s13, $0xb8;
	[tilespmem:$0x1E400] =	vst v63  }
0x53: {  	p0 =	sne.s32 s30, $0x4800;
	s30 =	sadd.s32 $0x80, s31  }
0x54: {  	[tilespmem:s15], [sflag:$0x2] =	stream.indirect.gather [hbm4b:s4+s13], $0x40, s30, s13, $0xb8;
	[tilespmem:$0x1E400] =	vst v63  }
0x55: {  	s30 =	sadd.s32 $0x100, s31  }
0x56: {  	[tilespmem:s16], [sflag:$0x3] =	stream.indirect.gather [hbm4b:s4+s13], $0x40, s30, s13, $0xb8;
	[tilespmem:$0x1E400] =	vst v63  }
0x57: {  	s30 =	sadd.s32 $0x180, s31  }
0x58: {  	[tilespmem:s17], [sflag:$0x4] =	stream.indirect.gather [hbm4b:s4+s13], $0x40, s30, s13, $0xb8;
	[tilespmem:$0x1E400] =	vst v63  }
0x59: {  	_ =	swait.ge [sflag:s18], $0x2000  }
0x5a: {  	[sflag:s18] =	ssyncset.done $0x0  }
0x5b: {  	s30 =	sadd.s32 $0x1400, s31;
	[sflag:s18] =	ssyncadd.s32 $0xFFFFE000  }
0x5c: {  	[spmem:s2] =	stream.indirect.scatter.add.f32 [tilespmem:s14], [sflag:$0x5], $0x40, s30, s13, $0xb8;
	[tilespmem:$0x1E400] =	vst v63  }
0x5d: {  	_ =	swait.ge [sflag:s19], $0x2000  }
0x5e: {  	[sflag:s19] =	ssyncset.done $0x0  }
0x5f: {  	s30 =	sadd.s32 $0x1480, s31;
	[sflag:s19] =	ssyncadd.s32 $0xFFFFE000  }
0x60: {  	[spmem:s2] =	stream.indirect.scatter.add.f32 [tilespmem:s15], [sflag:$0x6], $0x40, s30, s13, $0xb8;
	[tilespmem:$0x1E400] =	vst v63  }
0x61: {  	_ =	swait.ge [sflag:s20], $0x2000  }
0x62: {  	[sflag:s20] =	ssyncset.done $0x0  }
0x63: {  	s30 =	sadd.s32 $0x1500, s31;
	[sflag:s20] =	ssyncadd.s32 $0xFFFFE000  }
0x64: {  	[spmem:s2] =	stream.indirect.scatter.add.f32 [tilespmem:s16], [sflag:$0x7], $0x40, s30, s13, $0xb8;
	[tilespmem:$0x1E400] =	vst v63  }
0x65: {  	_ =	swait.ge [sflag:s21], $0x2000  }
0x66: {  	[sflag:s21] =	ssyncset.done $0x0  }
0x67: {  	s30 =	sadd.s32 $0x1580, s31;
	[sflag:s21] =	ssyncadd.s32 $0xFFFFE000  }
0x68: {  	[spmem:s2] =	stream.indirect.scatter.add.f32 [tilespmem:s17], [sflag:$0x8], $0x40, s30, s13, $0xb8;
	[tilespmem:$0x1E400] =	vst v63  }
0x69: {  	_ =	swait.ge [sflag:s22], $0x2000  }
0x6a: {  	[sflag:s22] =	ssyncset.done $0x0  }
0x6b: {  	[sflag:s22] =	ssyncadd.s32 $0xFFFFE000  }
0x6c: {  	_ =	swait.ge [sflag:s23], $0x2000  }
0x6d: {  	[sflag:s23] =	ssyncset.done $0x0  }
0x6e: {  	[sflag:s23] =	ssyncadd.s32 $0xFFFFE000  }
.Ltmp1:
0x6f: {  	_ =	swait.ge [sflag:s24], $0x2000;
	(pc) =	sbr.rel @p0 .LBB2_4-.Ltmp1, $4  }
0x70: {  	[sflag:s24] =	ssyncset.done $0x0  }
0x71: {  	[sflag:s24] =	ssyncadd.s32 $0xFFFFE000  }
0x72: {  	_ =	swait.ge [sflag:s25], $0x2000  }
0x73: {  	s30 =	smov.u32 s29;
	[sflag:s25] =	ssyncset.done $0x0  }
0x74: {  	s28 =	sshra.s32 s28, $0x2;
	[sflag:s25] =	ssyncadd.s32 $0xFFFFE000  }
0x75: {  	[tilespmem:s14], [sflag:$0x1] =	stream.indirect.gather [hbm4b:s4+s13], $0x40, s28, s13, $0xb8;
	[tilespmem:$0x1E400] =	vst v63  }
0x76: {  	s29 =	sadd.s32 $0x80, s28  }
0x77: {  	[tilespmem:s15], [sflag:$0x2] =	stream.indirect.gather [hbm4b:s4+s13], $0x40, s29, s13, $0xb8;
	[tilespmem:$0x1E400] =	vst v63  }
0x78: {  	s31 =	sadd.s32 $0x100, s28  }
0x79: {  	[tilespmem:s16], [sflag:$0x3] =	stream.indirect.gather [hbm4b:s4+s13], $0x40, s31, s13, $0xb8;
	[tilespmem:$0x1E400] =	vst v63  }
0x7a: {  	s30 =	sadd.s32 $0x180, s28  }
0x7b: {  	[tilespmem:s17], [sflag:$0x4] =	stream.indirect.gather [hbm4b:s4+s13], $0x40, s30, s13, $0xb8;
	[tilespmem:$0x1E400] =	vst v63  }
0x7c: {  	_ =	swait.ge [sflag:s18], $0x2000  }
0x7d: {  	[sflag:s18] =	ssyncset.done $0x0  }
0x7e: {  	s31 =	sadd.s32 $0x1400, s28;
	[sflag:s18] =	ssyncadd.s32 $0xFFFFE000  }
0x7f: {  	[spmem:s2] =	stream.indirect.scatter.add.f32 [tilespmem:s14], [sflag:$0x5], $0x40, s31, s13, $0xb8;
	[tilespmem:$0x1E400] =	vst v63  }
0x80: {  	_ =	swait.ge [sflag:s19], $0x2000  }
0x81: {  	[sflag:s19] =	ssyncset.done $0x0  }
0x82: {  	s30 =	sadd.s32 $0x1480, s28;
	[sflag:s19] =	ssyncadd.s32 $0xFFFFE000  }
0x83: {  	[spmem:s2] =	stream.indirect.scatter.add.f32 [tilespmem:s15], [sflag:$0x6], $0x40, s30, s13, $0xb8;
	[tilespmem:$0x1E400] =	vst v63  }
0x84: {  	_ =	swait.ge [sflag:s20], $0x2000  }
0x85: {  	[sflag:s20] =	ssyncset.done $0x0  }
0x86: {  	s31 =	sadd.s32 $0x1500, s28;
	[sflag:s20] =	ssyncadd.s32 $0xFFFFE000  }
0x87: {  	[spmem:s2] =	stream.indirect.scatter.add.f32 [tilespmem:s16], [sflag:$0x7], $0x40, s31, s13, $0xb8;
	[tilespmem:$0x1E400] =	vst v63  }
0x88: {  	_ =	swait.ge [sflag:s21], $0x2000  }
0x89: {  	[sflag:s21] =	ssyncset.done $0x0  }
0x8a: {  	s28 =	sadd.s32 $0x1580, s28;
	[sflag:s21] =	ssyncadd.s32 $0xFFFFE000  }
0x8b: {  	[spmem:s2] =	stream.indirect.scatter.add.f32 [tilespmem:s17], [sflag:$0x8], $0x40, s28, s13, $0xb8;
	[tilespmem:$0x1E400] =	vst v63  }
0x8c: {  	_ =	swait.ge [sflag:s22], $0x2000  }
0x8d: {  	[sflag:s22] =	ssyncset.done $0x0  }
0x8e: {  	[sflag:s22] =	ssyncadd.s32 $0xFFFFE000  }
0x8f: {  	_ =	swait.ge [sflag:s23], $0x2000  }
0x90: {  	[sflag:s23] =	ssyncset.done $0x0  }
0x91: {  	[sflag:s23] =	ssyncadd.s32 $0xFFFFE000  }
0x92: {  	_ =	swait.ge [sflag:s24], $0x2000  }
0x93: {  	[sflag:s24] =	ssyncset.done $0x0  }
0x94: {  	[sflag:s24] =	ssyncadd.s32 $0xFFFFE000  }
0x95: {  	_ =	swait.ge [sflag:s25], $0x2000  }
0x96: {  	[sflag:s25] =	ssyncset.done $0x0  }
0x97: {  	[sflag:s25] =	ssyncadd.s32 $0xFFFFE000  }
0x98: {  	[bflag:$0x0] =	sbarrier.arrive $0xFFFF  }
0x99: {  	[tilespmem:s12], [sflag:$0x9] =	stream.linear.gather [spmem:s7], $0x9E00, $0x38;
	[tilespmem:$0x1E400] =	vst v63  }
0x9a: {  	s26 =	sadd.s32 $0x1, s26;
	_ =	swait.ge [sflag:s10], $0x9E00  }
0x9b: {  	p0 =	sne.s32 s26, s9;
	[sflag:s10] =	ssyncset.done $0x0  }
.Ltmp2:
0x9c: {  	[sflag:s10] =	ssyncadd.s32 $0xFFFF6200;
	(pc) =	sbr.rel @p0 .LBB2_1-.Ltmp2, $4  }
0x9d: {  	[hbm4b:s8+s3] =	stream.linear.scatter [tilespmem:s12], [sflag:$0x9], $0x9E00, $0x38;
	[tilespmem:$0x1E400] =	vst v63  }
0x9e: {  	_ =	swait.ge [sflag:s10], $0x9E00  }
0x9f: {  	[sflag:s10] =	ssyncset.done $0x0  }
0xa0: {  	[sflag:s10] =	ssyncadd.s32 $0xFFFF6200  }
0xa1: {  	_ =	sfence.sel $0x180000  }
0xa2: {  	[bflag:$0x0] =	sbarrier.arrive $0xFFFF  }
0xa3: {  	p0 =	sne.s32 s0, $0x0;
	_ =	strace $0x9000004D  }
0xa4: {  	s0 =	sadd.s32 @!p0 $0x100000, s1;
	[bflag:$0x2] =	sbarrier.arrive $0xFFFF  }
0xa5: {  	[sflag:s0] =	ssyncadd.tile.s32 @!p0 $0x1;
	_ =	shalt  }
.Lfunc_end2:
_tile_overlayer_lowered:
.L_overlay_start_2:
0xa6: {  	(tag) =	ssettag $0x2  }
0xa7: {  	s0 =	rddreg [dreg:$0x0];
	s2 =	stileid.u32  }
0xa8: {  	s1 =	rddreg [dreg:$0x1];
	p0 =	sne.s32 s2, $0x0  }
0xa9: {  	s3 =	rddreg [dreg:$0x2];
	[bflag:$0x3] =	sbarrier.arrive $0xFFFF;
	s2 =	simm.s32 @!p0 $0x1C09  }
0xaa: {  	[timem:s3], [sflag:s2] =	dma.local @!p0 [hbm:s0], s1  }
0xab: {  	s0 =	simm.s32 @!p0 $0x9  }
0xac: {  	_ =	swait.ge @!p0 [sflag:s0], s1  }
0xad: {  	s1 =	ssub.s32 @!p0 $0x0, s1;
	[sflag:s0] =	ssyncset.done @!p0 $0x0  }
0xae: {  	[sflag:s0] =	ssyncadd.s32 @!p0 s1  }
0xaf: {  	[bflag:$0x3] =	sbarrier.arrive $0xFFFF  }
0xb0: {  	_ =	shalt  }

// kernel: kernel.8.cloned.1.call-start
scs
__scs_entry_jumppad:
0x0: {  	(pc) =	sbr.rel $0x88, $3  }
0x1: {  	(tag) =	ssettag $0x0;
	lr =	simm.s32 $0x1  }
0x2: {  	[smem:$0x3F9B] =	sst lr;
	_ =	strace $0xD0000000  }
0x3: {  	_ = 	snop  }
0x4: {  	_ = 	snop  }
0x5: {  	_ = 	snop  }
0x6: {  	_ = 	snop  }
0x7: {  	_ = 	snop  }
__scs_overlays_trampoline_lowered:
0x8: {  	[smem:$0x3FAA] =	sst s0  }
0x9: {  	[smem:$0x3FAB] =	sst s1  }
0xa: {  	[smem:$0x3FAC] =	sst s2  }
0xb: {  	[smem:$0x3FAD] =	sst s3  }
0xc: {  	[smem:$0x3FAE] =	sst s4  }
0xd: {  	[smem:$0x3FAF] =	sst s5  }
0xe: {  	[smem:$0x3FB0] =	sst s6  }
0xf: {  	[smem:$0x3FB1] =	sst s7  }
0x10: {  	[smem:$0x3FB2] =	sst s8  }
0x11: {  	[smem:$0x3FB3] =	sst s9;
	s0 =	simm.s32 @!p0 $0x0  }
0x12: {  	s1 =	sld [smem:$0x3F99];
	s0 =	simm.s32 @p0 $0x1  }
0x13: {  	[smem:$0x3FB4] =	sst s0;
	s0 =	simm.s32 @!p1 $0x0  }
0x14: {  	s2 =	sld [smem:$0x3F98];
	s0 =	simm.s32 @p1 $0x1  }
0x15: {  	[smem:$0x3FB5] =	sst s0;
	s0 =	simm.s32 @!p2 $0x0  }
0x16: {  	s3 =	sld [smem:$0x3FDB];
	s0 =	simm.s32 @p2 $0x1  }
0x17: {  	s4 =	simm.s32 $0x1BF5;
	[smem:$0x3FB7] =	sst s0  }
0x18: {  	s0 =	sld [smem:$0x3F9A];
	_ =	swait.ge [sflag:s4], $0x0  }
0x19: {  	s7 =	sld [smem:$0x3F9B]  }
0x1a: {  	s8 =	sadd.s32 $0xFFFFE003, lr  }
0x1b: {  	s9 =	sadd.s32 $0xFFFFFEF7, lr;
	s5 =	simm.s32 $0xFFFFFFFF;
	p2 =	slt.u32 s8, $0xFFFFF086  }
0x1c: {  	p1 =	slt.u32 s9, $0xF7A;
	s5 =	simm.s32 @!p2 $0x0  }
0x1d: {  	s5 =	simm.s32 @p1 $0x1;
	p0 =	seq.s32 s7, s2  }
0x1e: {  	s7 =	smul.u32 @!p0 $0xF7A, s2;
	p2 =	seq.s32 @!p0 s5, $0x0  }
0x1f: {  	s9 =	smul.u32 $0xF7A, s1;
	s8 =	simm.s32 @!p0 $0x1BF5;
	p2 =	por !p2, p0  }
0x20: {  	[sflag:s8] =	ssyncset.s32 @!p0 $0xFFFFF086;
	s6 =	sadd.s32 @!p0 s3, s7;
	s7 =	simm.s32 @!p0 $0x108  }
0x21: {  	s3 =	sadd.s32 s3, s9;
	s6 =	sadd.s32 @!p0 $0x88, s6;
	s7 =	simm.s32 @p2 $0x1082  }
0x22: {  	[simem:s7], [sflag:s8] =	dma.local @!p0 [hbm:s6], $0xF7A  }
0x23: {  	s9 =	sor.u32 $0xD0000000, s2;
	s6 =	simm.s32 $0x108;
	_ =	swait.ge @!p0 [sflag:s8], $0x0  }
0x24: {  	s3 =	sadd.s32 $0x88, s3;
	s6 =	simm.s32 @!p1 $0x1082;
	[sflag:s4] =	ssyncset.s32 $0xFFFFF086  }
0x25: {  	[simem:s6], [sflag:s4] =	dma.local [hbm:s3], $0xF7A  }
0x26: {  	[smem:$0x3F9B] =	sst s1;
	(tag) =	ssettag s2;
	_ =	strace s9  }
0x27: {  	s1 =	sld [smem:$0x3FAB]  }
0x28: {  	s2 =	sld [smem:$0x3FAC]  }
0x29: {  	s4 =	sld [smem:$0x3FAE]  }
0x2a: {  	p0 =	seq.s32 s5, $0x0;
	s5 =	sld [smem:$0x3FAF]  }
0x2b: {  	s6 =	sld [smem:$0x3FB0]  }
0x2c: {  	s7 =	sld [smem:$0x3FB1]  }
0x2d: {  	s3 =	simm.s32 $0x108;
	s8 =	sld [smem:$0x3FB2]  }
0x2e: {  	s3 =	simm.s32 @!p0 $0x1082;
	s9 =	sld [smem:$0x3FB3]  }
0x2f: {  	lr =	sadd.s32 s0, s3;
	s0 =	sld [smem:$0x3FAA]  }
0x30: {  	s3 =	sld [smem:$0x3FAD]  }
0x31: {  	[smem:$0x3FB6] =	sst s10  }
0x32: {  	s10 =	sld [smem:$0x3FB4];
	_ =	sdelay $0x3  }
0x33: {  	p0 =	seq.s32 s10, $0x1;
	s10 =	sld [smem:$0x3FB6];
	_ =	sdelay $0x3  }
0x34: {  	[smem:$0x3FB6] =	sst s10  }
0x35: {  	s10 =	sld [smem:$0x3FB5];
	_ =	sdelay $0x3  }
0x36: {  	p1 =	seq.s32 s10, $0x1;
	s10 =	sld [smem:$0x3FB6];
	_ =	sdelay $0x3  }
0x37: {  	[smem:$0x3FB6] =	sst s10  }
0x38: {  	s10 =	sld [smem:$0x3FB7]  }
0x39: {  	_ = 	snop;
	(pc) =	sbr.ind lr, $3  }
0x3a: {  	_ = 	snop  }
0x3b: {  	_ = 	snop  }
0x3c: {  	p2 =	seq.s32 s10, $0x1;
	s10 =	sld [smem:$0x3FB6]  }
0x3d: {  	_ =	shalt  }
0x3e: {  	_ =	shalt  }
0x3f: {  	_ =	shalt  }
0x40: {  	_ =	shalt  }
0x41: {  	_ =	shalt  }
0x42: {  	_ =	shalt  }
0x43: {  	_ =	shalt  }
0x44: {  	_ =	shalt  }
0x45: {  	_ =	shalt  }
0x46: {  	_ =	shalt  }
0x47: {  	_ =	shalt  }
0x48: {  	_ =	shalt  }
0x49: {  	_ =	shalt  }
0x4a: {  	_ =	shalt  }
0x4b: {  	_ =	shalt  }
0x4c: {  	_ =	shalt  }
0x4d: {  	_ =	shalt  }
0x4e: {  	_ =	shalt  }
0x4f: {  	_ =	shalt  }
0x50: {  	_ =	shalt  }
0x51: {  	_ =	shalt  }
0x52: {  	_ =	shalt  }
0x53: {  	_ =	shalt  }
0x54: {  	_ =	shalt  }
0x55: {  	_ =	shalt  }
0x56: {  	_ =	shalt  }
0x57: {  	_ =	shalt  }
0x58: {  	_ =	shalt  }
0x59: {  	_ =	shalt  }
0x5a: {  	_ =	shalt  }
0x5b: {  	_ =	shalt  }
0x5c: {  	_ =	shalt  }
0x5d: {  	_ =	shalt  }
0x5e: {  	_ =	shalt  }
0x5f: {  	_ =	shalt  }
0x60: {  	_ =	shalt  }
0x61: {  	_ =	shalt  }
0x62: {  	_ =	shalt  }
0x63: {  	_ =	shalt  }
0x64: {  	_ =	shalt  }
0x65: {  	_ =	shalt  }
0x66: {  	_ =	shalt  }
0x67: {  	_ =	shalt  }
0x68: {  	_ =	shalt  }
0x69: {  	_ =	shalt  }
0x6a: {  	_ =	shalt  }
0x6b: {  	_ =	shalt  }
0x6c: {  	_ =	shalt  }
0x6d: {  	_ =	shalt  }
0x6e: {  	_ =	shalt  }
0x6f: {  	_ =	shalt  }
0x70: {  	_ =	shalt  }
0x71: {  	_ =	shalt  }
0x72: {  	_ =	shalt  }
0x73: {  	_ =	shalt  }
0x74: {  	_ =	shalt  }
0x75: {  	_ =	shalt  }
0x76: {  	_ =	shalt  }
0x77: {  	_ =	shalt  }
0x78: {  	_ =	shalt  }
0x79: {  	_ =	shalt  }
0x7a: {  	_ =	shalt  }
0x7b: {  	_ =	shalt  }
0x7c: {  	_ =	shalt  }
0x7d: {  	_ =	shalt  }
0x7e: {  	_ =	shalt  }
0x7f: {  	_ =	shalt  }
0x80: {  	_ =	shalt  }
0x81: {  	_ =	shalt  }
0x82: {  	_ =	shalt  }
0x83: {  	_ =	shalt  }
0x84: {  	_ =	shalt  }
0x85: {  	_ =	shalt  }
0x86: {  	_ =	shalt  }
0x87: {  	_ =	shalt  }
.Lfunc_end0:
.L_simem_size_0:
called_computation_lowered:
.L_overlay_start_0:
0x88: {  	s2 =	sld [smem:$0x3FD9]  }
0x89: {  	s3 =	sld [smem:$0x3FFE];
	_ =	sdelay $0x1  }
0x8a: {  	s1 =	srdreg.scid  }
0x8b: {  	s0 =	sand.u32 $0x1, s1  }
0x8c: {  	s17 =	sshll.u32 s0, $0xA;
	s2 =	sadd.s32 s3, s2  }
0x8d: {  	s2 =	sadd.s32 s2, s17  }
0x8e: {  	[smem:$0x3FC2] =	sst s2  }
0x8f: {  	_ = 	snop  }
0x90: {  	s2 =	sld [smem:$0x3FD0];
	(tm) =	ssettm $0x1  }
0x91: {  	s18 =	sld [smem:$0x3FFB];
	_ =	sdelay $0x3  }
0x92: {  	_ =	strace s18  }
0x93: {  	s3 =	sld [smem:$0x3FFC];
	_ =	sdelay $0x3  }
0x94: {  	_ =	strace s3  }
0x95: {  	s3 =	sld [smem:$0x3FFD];
	_ =	sdelay $0x3  }
0x96: {  	_ =	strace s3  }
0x97: {  	_ =	strace $0x8FFFFFFF  }
0x98: {  	s19 =	sld [smem:$0x3FDB];
	_ =	sdelay $0x1  }
0x99: {  	s4 =	simm.s32 $_scs_section_size  }
0x9a: {  	s5 =	simm.s32 $_size__tile_overlayer_lowered;
	s6 =	simm.s32 $_tile_overlayer_lowered  }
0x9b: {  	s22 =	simm.s32 $0x1BFF;
	s21 =	sshll.u32 s6, $0x1;
	s3 =	sadd.s32 s4, s19  }
0x9c: {  	s7 =	simm.s32 $0x0;
	s20 =	sshll.u32 s5, $0x1;
	s5 =	sadd.s32 s21, s3  }
0x9d: {  	[timem:s7], [sflag:s22] =	dma.local [hbm:s5], s20  }
0x9e: {  	_ =	swait.ge [sflag:s22], s20  }
0x9f: {  	s4 =	ssub.s32 $0x0, s20;
	[sflag:s22] =	ssyncset.done $0x0  }
0xa0: {  	[sflag:s22] =	ssyncadd.s32 s4;
	_ =	sdelay $0x1  }
0xa1: {  	s23 =	simm.s32 $0x1B8B  }
0xa2: {  	_ =	swait.ge [sflag:s23], $0x1  }
0xa3: {  	[sflag:s23] =	ssyncset.done $0x0  }
0xa4: {  	s25 =	simm.s32 $0x1B8E;
	s24 =	sld [smem:$0x3FFE];
	[sflag:s23] =	ssyncadd.s32 $0xFFFFFFFF  }
0xa5: {  	s26 =	simm.s32 $execute0_lowered;
	[smem:$0x3FD2] =	sst s25  }
0xa6: {  	s5 =	sshll.u32 s26, $0x1;
	_ =	strace $0x80000046;
	[dreg:$0x1] =	wrdreg $0xFFFFFFFF  }
0xa7: {  	s28 =	simm.s32 $_size_execute0_lowered;
	s3 =	sadd.s32 s3, s5;
	[dreg:$0x0] =	wrdreg $0x0  }
0xa8: {  	s5 =	sshll.u32 s28, $0x1;
	[dreg:$0x2] =	wrdreg s3  }
0xa9: {  	[dreg:$0x3] =	wrdreg s5  }
0xaa: {  	[dreg:$0x4] =	wrdreg $0xC0  }
0xab: {  	_ =	task [dreg:s7], $0x5FFFF  }
0xac: {  	[dreg:$0x1] =	wrdreg $0xFFFFFFFF  }
0xad: {  	[dreg:$0x0] =	wrdreg $0x60  }
0xae: {  	[dreg:$0x2] =	wrdreg s24  }
0xaf: {  	[dreg:$0x3] =	wrdreg s2  }
0xb0: {  	[dreg:$0x4] =	wrdreg $0x43800  }
0xb1: {  	[dreg:$0x5] =	wrdreg $0x9  }
0xb2: {  	_ =	task.clear_ibuf [dreg:s7], $0x6FFFF;
	_ =	strace $0x90000046  }
0xb3: {  	s29 =	simm.s32 $0x9;
	_ =	strace $0x80000048  }
0xb4: {  	_ =	swait.ge [sflag:s29], $0x1  }
0xb5: {  	[sflag:s29] =	ssyncadd.s32 $0xFFFFFFFF  }
0xb6: {  	_ =	strace $0x90000048  }
0xb7: {  	_ =	sfence  }
0xb8: {  	s30 =	sld [smem:$0x0];
	_ =	sdelay $0x2  }
0xb9: {  	s31 =	sshll.u32 s1, $0xD;
	s1 =	sshrl.u32 s1, $0x2  }
0xba: {  	s3 =	sand.u32 $0x4000, s31;
	s1 =	sadd.s32 s1, s30  }
0xbb: {  	s0 =	sor.u32 s3, s0;
	s1 =	sshll.u32 s1, $0x11  }
0xbc: {  	s0 =	sor.u32 s1, s0  }
0xbd: {  	s0 =	sadd.s32 $0x8F2B, s0  }
0xbe: {  	[sflag:s0] =	ssyncadd.remote.s32 $0x1  }
0xbf: {  	_ =	sfence.sel $0xFFFF  }
0xc0: {  	[dreg:$0x0] =	wrdreg $0xFFFFFFFF;
	(pc) =	sbr.abs _section_cstart, $3  }
0xc1: {  	[dreg:$0x1] =	wrdreg $0xFFFFFFFF  }
0xc2: {  	_ =	task.clear_ibuf [dreg:s7], $0x2FFFF;
	_ =	strace $0x9FFFFFFF  }
0xc3: {  	(tm) =	ssettm $0x7FFFFFFF  }
tec
execute0_lowered:
.L_overlay_start_1:
0x0: {  	(tag) =	ssettag $0x1  }
0x1: {  	s4 =	rddreg [dreg:$0x0]  }
0x2: {  	s6 =	rddreg [dreg:$0x1];
	s0 =	srdreg.scid  }
0x3: {  	s2 =	rddreg [dreg:$0x2];
	s1 =	stileid.u32;
	s3 =	simm.s32 $0x0  }
0x4: {  	s11 =	simm.s32 $0x1400;
	s5 =	sand.u32 $0x1, s0;
	s0 =	rddreg [dreg:$0x3]  }
0x5: {  	s12 =	simm.s32 $0x0;
	s8 =	smul.u32 $0x2780, s1;
	[smem:$0x7FF] =	sst s3  }
0x6: {  	s7 =	sshll.u32 s5, $0x4;
	s9 =	smul.u32 $0x27800, s5;
	s5 =	ssub.s32 $0x2, s5  }
0x7: {  	_ =	strace $0x80000047;
	s7 =	sor.u32 s1, s7;
	s10 =	sshrl.u32 s5, $0x1  }
0x8: {  	s7 =	smul.u32 $0x280, s7;
	s9 =	sadd.s32 s8, s9;
	s31 =	ssub.s32 s5, s10  }
0x9: {  	s5 =	sadd.s32 s8, s2;
	s8 =	simm.s32 $0x1;
	s9 =	sshrl.u32 s9, $0x3  }
0xa: {  	s10 =	simm.s32 $0x80;
	s4 =	sadd.s32 s7, s4;
	s6 =	sadd.s32 s6, s9  }
0xb: {  	v0 =	vimm.f32 $1.000000000e+00;
	v1 =	vimm.f32 $0.0e+00;
	s7 =	smax.u32 s31, $0x1;
	s9 =	simm.s32 $0x1C00;
	s4 =	sadd.s32 $0x6C00, s4  }
.LBB2_1:
0xc: {  	[tilespmem:s3], [sflag:$0x1] =	stream.linear.gather [hbm4b:s4+s3], $0x1400, $0x38;
	[tilespmem:$0x6B00] =	vst v63  }
0xd: {  	_ =	swait.ge [sflag:s8], $0x1400  }
0xe: {  	[sflag:s8] =	ssyncset.done $0x0  }
0xf: {  	s13 =	simm.s32 $0x0;
	s14 =	simm.s32 $0x200;
	[sflag:s8] =	ssyncadd.s32 $0xFFFFEC00  }
.LBB2_2:
0x10: {  	p0 =	sne.s32 s14, $0x1E00;
	[tilespmem:s13+$0x1470] =	vst v0  }
0x11: {  	[tilespmem:s13+$0x1400] =	vst v0  }
0x12: {  	[tilespmem:s13+$0x1410] =	vst v0  }
.Ltmp0:
0x13: {  	[tilespmem:s13+$0x1420] =	vst v0;
	(pc) =	sbr.rel @p0 .LBB2_2-.Ltmp0, $4  }
0x14: {  	[tilespmem:s13+$0x1430] =	vst v0  }
0x15: {  	[tilespmem:s13+$0x1440] =	vst v0  }
0x16: {  	[tilespmem:s13+$0x1450] =	vst v0  }
0x17: {  	[tilespmem:s13+$0x1460] =	vst v0;
	s13 =	sshra.s32 s14, $0x2;
	s14 =	sadd.s32 $0x200, s14  }
0x18: {  	[tilespmem:s13+$0x1470] =	vst v0  }
0x19: {  	[tilespmem:s13+$0x1400] =	vst v0  }
0x1a: {  	[tilespmem:s13+$0x1410] =	vst v0  }
0x1b: {  	[tilespmem:s13+$0x1420] =	vst v0  }
0x1c: {  	[tilespmem:s13+$0x1430] =	vst v0  }
0x1d: {  	[tilespmem:s13+$0x1440] =	vst v0  }
0x1e: {  	[tilespmem:s13+$0x1450] =	vst v0  }
0x1f: {  	[tilespmem:s13+$0x1460] =	vst v0;
	s13 =	simm.s32 $0x0;
	s14 =	simm.s32 $0x200  }
.LBB2_4:
0x20: {  	p0 =	sne.s32 s14, $0x9C00;
	[tilespmem:s13+$0x1C70] =	vst v1  }
0x21: {  	[tilespmem:s13+$0x1C00] =	vst v1  }
0x22: {  	[tilespmem:s13+$0x1C10] =	vst v1  }
.Ltmp1:
0x23: {  	[tilespmem:s13+$0x1C20] =	vst v1;
	(pc) =	sbr.rel @p0 .LBB2_4-.Ltmp1, $4  }
0x24: {  	[tilespmem:s13+$0x1C30] =	vst v1  }
0x25: {  	[tilespmem:s13+$0x1C40] =	vst v1  }
0x26: {  	[tilespmem:s13+$0x1C50] =	vst v1  }
0x27: {  	[tilespmem:s13+$0x1C60] =	vst v1;
	s13 =	sshra.s32 s14, $0x2;
	s14 =	sadd.s32 $0x200, s14  }
0x28: {  	[tilespmem:s13+$0x1C70] =	vst v1  }
0x29: {  	[tilespmem:s13+$0x1C00] =	vst v1  }
0x2a: {  	[tilespmem:s13+$0x1C10] =	vst v1  }
0x2b: {  	[tilespmem:s13+$0x1C20] =	vst v1  }
0x2c: {  	[tilespmem:s13+$0x1C30] =	vst v1  }
0x2d: {  	[tilespmem:s13+$0x1C40] =	vst v1  }
0x2e: {  	[tilespmem:s13+$0x1C50] =	vst v1  }
0x2f: {  	[tilespmem:s13+$0x1C60] =	vst v1  }
0x30: {  	[spmem:s5] =	stream.linear.scatter [tilespmem:s9], [sflag:$0x1], $0x2780, $0x38;
	[tilespmem:$0x6B00] =	vst v63  }
0x31: {  	_ =	swait.ge [sflag:s8], $0x2780  }
0x32: {  	[sflag:s8] =	ssyncset.done $0x0  }
0x33: {  	[sflag:s8] =	ssyncadd.s32 $0xFFFFD880  }
0x34: {  	s31 =	simm.s32 $0x0;
	[bflag:$0x0] =	sbarrier.arrive $0xFFFF  }
0x35: {  	[spmem:s2] =	stream.indirect.scatter.add.f32 [tilespmem:s11], [sflag:$0x1], $0x10, s31, s10, $0xb8;
	[tilespmem:$0x6B00] =	vst v63  }
0x36: {  	_ =	swait.ge [sflag:s8], $0x800  }
0x37: {  	s13 =	simm.s32 $0x200;
	[sflag:s8] =	ssyncset.done $0x0  }
.LBB2_6:
0x38: {  	s14 =	sshra.s32 s13, $0x2;
	[sflag:s8] =	ssyncadd.s32 $0xFFFFF800;
	p0 =	sne.s32 s13, $0x4E00  }
0x39: {  	[spmem:s2] =	stream.indirect.scatter.add.f32 [tilespmem:s11], [sflag:$0x1], $0x10, s14, s10, $0xb8;
	[tilespmem:$0x6B00] =	vst v63  }
.Ltmp2:
0x3a: {  	_ = 	snop;
	(pc) =	sbr.rel @p0 .LBB2_6-.Ltmp2, $4  }
0x3b: {  	_ = 	snop  }
0x3c: {  	s13 =	sadd.s32 $0x200, s13  }
0x3d: {  	_ =	swait.ge [sflag:s8], $0x800  }
0x3e: {  	[sflag:s8] =	ssyncset.done $0x0  }
0x3f: {  	[sflag:s8] =	ssyncadd.s32 $0xFFFFF800  }
0x40: {  	[bflag:$0x0] =	sbarrier.arrive $0xFFFF  }
0x41: {  	[tilespmem:s9], [sflag:$0x1] =	stream.linear.gather [spmem:s5], $0x2780, $0x38;
	[tilespmem:$0x6B00] =	vst v63  }
0x42: {  	s12 =	sadd.s32 $0x1, s12;
	_ =	swait.ge [sflag:s8], $0x2780  }
0x43: {  	p0 =	sne.s32 s12, s7;
	[sflag:s8] =	ssyncset.done $0x0  }
.Ltmp3:
0x44: {  	[sflag:s8] =	ssyncadd.s32 $0xFFFFD880;
	(pc) =	sbr.rel @p0 .LBB2_1-.Ltmp3, $4  }
0x45: {  	[hbm4b:s6+s3] =	stream.linear.scatter [tilespmem:s9], [sflag:$0x1], $0x2780, $0x38;
	[tilespmem:$0x6B00] =	vst v63  }
0x46: {  	_ =	swait.ge [sflag:s8], $0x2780  }
0x47: {  	[sflag:s8] =	ssyncset.done $0x0  }
0x48: {  	[sflag:s8] =	ssyncadd.s32 $0xFFFFD880  }
0x49: {  	_ =	sfence.sel $0x180000  }
0x4a: {  	[bflag:$0x0] =	sbarrier.arrive $0xFFFF  }
0x4b: {  	p0 =	sne.s32 s1, $0x0;
	_ =	strace $0x90000047  }
0x4c: {  	s0 =	sadd.s32 @!p0 $0x100000, s0;
	[bflag:$0x2] =	sbarrier.arrive $0xFFFF  }
0x4d: {  	[sflag:s0] =	ssyncadd.tile.s32 @!p0 $0x1;
	_ =	shalt  }
.Lfunc_end2:
_tile_overlayer_lowered:
.L_overlay_start_2:
0x4e: {  	(tag) =	ssettag $0x2  }
0x4f: {  	s0 =	rddreg [dreg:$0x0];
	s2 =	stileid.u32  }
0x50: {  	s1 =	rddreg [dreg:$0x1];
	p0 =	sne.s32 s2, $0x0  }
0x51: {  	s3 =	rddreg [dreg:$0x2];
	[bflag:$0x3] =	sbarrier.arrive $0xFFFF;
	s2 =	simm.s32 @!p0 $0x1C01  }
0x52: {  	[timem:s3], [sflag:s2] =	dma.local @!p0 [hbm:s0], s1  }
0x53: {  	s0 =	simm.s32 @!p0 $0x1  }
0x54: {  	_ =	swait.ge @!p0 [sflag:s0], s1  }
0x55: {  	s1 =	ssub.s32 @!p0 $0x0, s1;
	[sflag:s0] =	ssyncset.done @!p0 $0x0  }
0x56: {  	[sflag:s0] =	ssyncadd.s32 @!p0 s1  }
0x57: {  	[bflag:$0x3] =	sbarrier.arrive $0xFFFF  }
0x58: {  	_ =	shalt  }

</sc_bundles>
